<compile_context>
chip_gen: v7x
topology: tpu7x:2x2x1
jax: 0.10.2.dev20260603
libtpu: 0.0.44.dev20260713+nightly
codegen_flags: <defaults>
</compile_context>

<pallas_src>
import functools
import jax
import jax.numpy as jnp
from jax import lax
from jax.experimental import pallas as pl
from jax.experimental.pallas import tpu as pltpu
from jax.experimental.pallas import tpu_sc as plsc

NC = 2
NS = 16
NW = NC * NS
CB = 128


@jax.jit
def kernel(token_ids, table):
    B, L = token_ids.shape
    V, D = table.shape
    assert D == 32 and B % (NW * CB) == 0
    DT, DR = D // 8, 8
    cb_per_w = B // (NW * CB)
    toks_per_w = cb_per_w * CB * L
    chunks = cb_per_w * L
    idx_flat = token_ids.reshape(B * L // CB, CB).astype(jnp.int32)

    mesh = plsc.VectorSubcoreMesh(
        core_axis_name="c", subcore_axis_name="s",
        num_cores=NC, num_subcores=NS)

    @functools.partial(
        pl.kernel,
        mesh=mesh,
        out_type=jax.ShapeDtypeStruct((L, DT, B // CB, DR, CB), jnp.float32),
        scratch_types=[
            pltpu.VMEM((toks_per_w // CB, CB), jnp.int32),
            pltpu.VMEM((CB,), jnp.int32),
            pltpu.VMEM((CB,), jnp.int32),
            pltpu.VMEM((CB, D), jnp.float32),
            pltpu.VMEM((CB, D), jnp.float32),
            pltpu.VMEM((DT, DR, CB), jnp.float32),
            pltpu.VMEM((DT, DR, CB), jnp.float32),
            pltpu.SemaphoreType.DMA,
            pltpu.SemaphoreType.DMA,
            pltpu.SemaphoreType.DMA,
            pltpu.SemaphoreType.DMA,
        ],
        compiler_params=pltpu.CompilerParams(
            use_tc_tiling_on_sc=False, needs_layout_passes=False),
    )
    def emb(table_hbm, idx_hbm, out_hbm, idx_v, ic_a, ic_b, g_a, g_b,
            t_a, t_b, gsem_a, gsem_b, osem_a, osem_b):
        wid = lax.axis_index("s") * NC + lax.axis_index("c")
        pltpu.sync_copy(
            idx_hbm.at[pl.ds(wid * (toks_per_w // CB), toks_per_w // CB)],
            idx_v)
        lanes = lax.iota(jnp.int32, 16)
        svecs = [lanes + (k * 16) for k in range(8)]
        lanes_l = lanes * L

        def build_idx(m, ic):
            base = (m // L) * (CB * L) + (m % L)

            @plsc.parallel_loop(0, 8, unroll=8)
            def _(k):
                p = lanes_l + (k * (16 * L) + base)
                ic[pl.ds(k * 16, 16)] = plsc.load_gather(
                    idx_v, [p >> 7, p & (CB - 1)])

        def fire(ic, g, sem):
            pltpu.async_copy(table_hbm.at[ic], g, sem)

        def wait(ic, g, sem):
            pltpu.make_async_copy(table_hbm.at[ic], g, sem).wait()

        def out_at(m):
            return out_hbm.at[m % L, :, wid * cb_per_w + m // L]

        def emit(m, g, tb, osem):
            @plsc.parallel_loop(0, D, unroll=4)
            def _(d):
                dvec = jnp.full((16,), d, jnp.int32)
                for k in range(8):
                    tb[d >> 3, d & 7, pl.ds(k * 16, 16)] = plsc.load_gather(
                        g, [svecs[k], dvec])

            @pl.when(m >= 2)
            def _():
                pltpu.make_async_copy(tb, out_at(m - 2), osem).wait()

            pltpu.async_copy(tb, out_at(m), osem)

        build_idx(0, ic_a)
        fire(ic_a, g_a, gsem_a)

        @pl.loop(0, chunks, step=2)
        def _(m):
            build_idx(m + 1, ic_b)
            fire(ic_b, g_b, gsem_b)
            wait(ic_a, g_a, gsem_a)
            emit(m, g_a, t_a, osem_a)

            @pl.when(m + 2 < chunks)
            def _():
                build_idx(m + 2, ic_a)
                fire(ic_a, g_a, gsem_a)

            wait(ic_b, g_b, gsem_b)
            emit(m + 1, g_b, t_b, osem_b)

        pltpu.make_async_copy(t_a, out_at(chunks - 2), osem_a).wait()
        pltpu.make_async_copy(t_b, out_at(chunks - 1), osem_b).wait()

    out5 = emb(table, idx_flat)
    return out5.transpose(2, 4, 0, 1, 3).reshape(B, L, D)

# --- scband reference (transcript-rebuilt; emitter-appended) ---
"""Pipeline reference for scband-cllmembedding-31490700214960 (READ-ONLY COPY).

The authoritative reference and input builder live on the scoring server;
editing this copy changes nothing except your own understanding.
"""

import jax, jax.numpy as jnp
import numpy as np

VOCAB = 1000000
DIM = 32
B = 16384
L = 50

def setup_inputs(seed: int = 0) -> dict:
    key = jax.random.key(seed)
    k1, k2 = jax.random.split(key)
    token_ids = jax.random.randint(k1, (B, L), 0, VOCAB, dtype=jnp.int64 if jax.config.jax_enable_x64 else jnp.int32)
    table = jax.random.normal(k2, (VOCAB, DIM), dtype=jnp.float32)
    return {"token_ids": token_ids, "table": table}

def reference(token_ids, table):
    # Faithful translation of nn.Embedding forward: gather rows of the table.
    return jnp.take(table, token_ids, axis=0)

if __name__ == "__main__":
    import jax
    _d = setup_inputs()
    print(jax.jit(kernel)(*tuple(_d.values())))

</pallas_src>

<mosaic_0001>
#map = affine_map<(d0, d1) -> (0, 0)>
#map1 = affine_map<(d0, d1) -> (0, 0, 0, 0, 0)>
module attributes {stable_mosaic.version = 14 : i64} {
  func.func @emb(%arg0: i32, %arg1: i32, %arg2: memref<1000000x32xf32, #tpu.memory_space<hbm>>, %arg3: memref<6400x128xi32, #tpu.memory_space<hbm>>, %arg4: memref<50x4x128x8x128xf32, #tpu.memory_space<hbm>>, %arg5: memref<200x128xi32, #tpu.memory_space<vmem>>, %arg6: memref<128xi32, #tpu.memory_space<vmem>>, %arg7: memref<128xi32, #tpu.memory_space<vmem>>, %arg8: memref<128x32xf32, #tpu.memory_space<vmem>>, %arg9: memref<128x32xf32, #tpu.memory_space<vmem>>, %arg10: memref<4x8x128xf32, #tpu.memory_space<vmem>>, %arg11: memref<4x8x128xf32, #tpu.memory_space<vmem>>, %arg12: memref<!tpu.dma_semaphore, #tpu.memory_space<semaphore_mem>>, %arg13: memref<!tpu.dma_semaphore, #tpu.memory_space<semaphore_mem>>, %arg14: memref<!tpu.dma_semaphore, #tpu.memory_space<semaphore_mem>>, %arg15: memref<!tpu.dma_semaphore, #tpu.memory_space<semaphore_mem>>) attributes {dimension_semantics = [#tpu.dimension_semantics<core_parallel>, #tpu.dimension_semantics<subcore_parallel>], iteration_bounds = array<i64: 2, 16>, scalar_prefetch = 0 : i64, scratch_operands = 11 : i64, tpu.core_type = #tpu.core_type<sc_vector_subcore>, window_params = [{transform_indices = #map}, {transform_indices = #map}, {transform_indices = #map1}]} {
    %mul3A = arith.constant 2 : i32
    %mul3A_0 = arith.muli %arg1, %mul3A : i32
    %add3A = arith.addi %mul3A_0, %arg0 : i32
    %mul3A_1 = arith.constant 200 : i32
    %mul3A_2 = arith.muli %add3A, %mul3A_1 : i32
    "tpu.region"() ({
      %run_scoped3A = tpu.sem_alloc : memref<!tpu.dma_semaphore, #tpu.memory_space<semaphore_mem>>
      %dma_start3A_67 = arith.constant 0 : i32
      %dma_start3A_68 = tpu.memref_slice %arg3[%mul3A_2, %dma_start3A_67] : memref<6400x128xi32, #tpu.memory_space<hbm>> -> memref<200x128xi32, #tpu.memory_space<hbm>>
      %dma_start3A_69 = arith.constant 0 : i32
      %dma_start3A_70 = tpu.memref_slice %arg3[%mul3A_2, %dma_start3A_69] : memref<6400x128xi32, #tpu.memory_space<hbm>> -> memref<200x128xi32, #tpu.memory_space<hbm>>
      tpu.enqueue_dma source(%dma_start3A_70 : memref<200x128xi32, #tpu.memory_space<hbm>>) target(%arg5 : memref<200x128xi32, #tpu.memory_space<vmem>>) target_semaphore(%run_scoped3A : memref<!tpu.dma_semaphore, #tpu.memory_space<semaphore_mem>>)
      %dma_wait3A_71 = arith.constant 0 : i32
      %dma_wait3A_72 = tpu.memref_slice %arg3[%mul3A_2, %dma_wait3A_71] : memref<6400x128xi32, #tpu.memory_space<hbm>> -> memref<200x128xi32, #tpu.memory_space<hbm>>
      %dma_wait3A_73 = arith.constant 0 : i32
      %dma_wait3A_74 = tpu.memref_slice %arg3[%mul3A_2, %dma_wait3A_73] : memref<6400x128xi32, #tpu.memory_space<hbm>> -> memref<200x128xi32, #tpu.memory_space<hbm>>
      tpu.wait_dma2 semaphore(%run_scoped3A : memref<!tpu.dma_semaphore, #tpu.memory_space<semaphore_mem>>) src(%dma_wait3A_74 : memref<200x128xi32, #tpu.memory_space<hbm>>) dst(%arg5 : memref<200x128xi32, #tpu.memory_space<vmem>>)
      tpu.yield
    }) : () -> ()
    %iota3A = tpu.iota {dimensions = array<i32: 0>} : vector<16xi32>
    %add3A_3 = arith.constant 0 : i32
    %add3A_4 = vector.broadcast %add3A_3 : i32 to vector<16xi32>
    %add3A_5 = arith.addi %iota3A, %add3A_4 : vector<16xi32>
    %add3A_6 = arith.constant 16 : i32
    %add3A_7 = vector.broadcast %add3A_6 : i32 to vector<16xi32>
    %add3A_8 = arith.addi %iota3A, %add3A_7 : vector<16xi32>
    %add3A_9 = arith.constant 32 : i32
    %add3A_10 = vector.broadcast %add3A_9 : i32 to vector<16xi32>
    %add3A_11 = arith.addi %iota3A, %add3A_10 : vector<16xi32>
    %add3A_12 = arith.constant 48 : i32
    %add3A_13 = vector.broadcast %add3A_12 : i32 to vector<16xi32>
    %add3A_14 = arith.addi %iota3A, %add3A_13 : vector<16xi32>
    %add3A_15 = arith.constant 64 : i32
    %add3A_16 = vector.broadcast %add3A_15 : i32 to vector<16xi32>
    %add3A_17 = arith.addi %iota3A, %add3A_16 : vector<16xi32>
    %add3A_18 = arith.constant 80 : i32
    %add3A_19 = vector.broadcast %add3A_18 : i32 to vector<16xi32>
    %add3A_20 = arith.addi %iota3A, %add3A_19 : vector<16xi32>
    %add3A_21 = arith.constant 96 : i32
    %add3A_22 = vector.broadcast %add3A_21 : i32 to vector<16xi32>
    %add3A_23 = arith.addi %iota3A, %add3A_22 : vector<16xi32>
    %add3A_24 = arith.constant 112 : i32
    %add3A_25 = vector.broadcast %add3A_24 : i32 to vector<16xi32>
    %add3A_26 = arith.addi %iota3A, %add3A_25 : vector<16xi32>
    %mul3A_27 = arith.constant 50 : i32
    %mul3A_28 = vector.broadcast %mul3A_27 : i32 to vector<16xi32>
    %mul3A_29 = arith.muli %iota3A, %mul3A_28 : vector<16xi32>
    %parallel_loop3A = arith.constant 0 : i32
    %parallel_loop3A_30 = arith.constant 8 : i32
    %parallel_loop3A_31 = arith.constant 1 : i32
    scf.for %parallel_loop3A_67 = %parallel_loop3A to %parallel_loop3A_30 step %parallel_loop3A_31  : i32 {
      %parallel_loop3A_68 = arith.constant 800 : i32
      %parallel_loop3A_69 = arith.muli %parallel_loop3A_67, %parallel_loop3A_68 : i32
      %parallel_loop3A_70 = arith.constant 0 : i32
      %parallel_loop3A_71 = arith.addi %parallel_loop3A_69, %parallel_loop3A_70 : i32
      %parallel_loop3A_72 = vector.broadcast %parallel_loop3A_71 : i32 to vector<16xi32>
      %parallel_loop3A_73 = arith.addi %mul3A_29, %parallel_loop3A_72 : vector<16xi32>
      %parallel_loop3A_74 = arith.constant 7 : i32
      %parallel_loop3A_75 = vector.broadcast %parallel_loop3A_74 : i32 to vector<16xi32>
      %parallel_loop3A_76 = arith.shrsi %parallel_loop3A_73, %parallel_loop3A_75 : vector<16xi32>
      %parallel_loop3A_77 = arith.constant 127 : i32
      %parallel_loop3A_78 = vector.broadcast %parallel_loop3A_77 : i32 to vector<16xi32>
      %parallel_loop3A_79 = arith.andi %parallel_loop3A_73, %parallel_loop3A_78 : vector<16xi32>
      %parallel_loop3A_80 = tpu.vector_load_idx %arg5[%parallel_loop3A_76, %parallel_loop3A_79] : memref<200x128xi32, #tpu.memory_space<vmem>>[vector<16xi32>, vector<16xi32>], vector<16xi32>,
      %parallel_loop3A_81 = arith.constant 16 : i32
      %parallel_loop3A_82 = arith.muli %parallel_loop3A_67, %parallel_loop3A_81 : i32
      %parallel_loop3A_83 = arith.index_cast %parallel_loop3A_82 : i32 to index
      %parallel_loop3A_84 = tpu.vector_load %arg6[%parallel_loop3A_83] {strides = array<i32>} : memref<128xi32, #tpu.memory_space<vmem>>, vector<16xi32>,
      tpu.vector_store %arg6[%parallel_loop3A_83], %parallel_loop3A_80 {strides = array<i32>} : memref<128xi32, #tpu.memory_space<vmem>>, vector<16xi32>,
    } {sc.loop_unroll_factor = 8 : i64, sc.parallel_access}
    %dma_start3A = arith.constant 0 : i32
    %dma_start3A_32 = arith.constant 0 : i32
    %dma_start3A_33 = tpu.memref_slice %arg2[%dma_start3A, %dma_start3A_32] : memref<1000000x32xf32, #tpu.memory_space<hbm>> -> memref<1000000x32xf32, #tpu.memory_space<hbm>>
    tpu.enqueue_indirect_dma source(%dma_start3A_33 : memref<1000000x32xf32, #tpu.memory_space<hbm>>) target(%arg8 : memref<128x32xf32, #tpu.memory_space<vmem>>) offsets(%arg6 : memref<128xi32, #tpu.memory_space<vmem>>) semaphore(%arg12 : memref<!tpu.dma_semaphore, #tpu.memory_space<semaphore_mem>>)
    %scan3A = arith.constant 0 : i32
    %scan3A_34 = arith.constant 100 : i32
    %scan3A_35 = arith.addi %scan3A, %scan3A_34 : i32
    %scan3A_36 = arith.constant 1 : i32
    scf.for %scan3A_67 = %scan3A to %scan3A_35 step %scan3A_36  : i32 {
      %mul3A_68 = arith.constant 2 : i32
      %mul3A_69 = arith.muli %scan3A_67, %mul3A_68 : i32
      %add3A_70 = arith.constant 0 : i32
      %add3A_71 = arith.addi %add3A_70, %mul3A_69 : i32
      %add3A_72 = arith.constant 1 : i32
      %add3A_73 = arith.addi %add3A_71, %add3A_72 : i32
      %jit3A = arith.constant 50 : i32
      %div3A = arith.divsi %add3A_73, %jit3A : i32
      %sign3A = arith.constant 0 : i32
      %sign3A_74 = arith.cmpi sgt, %add3A_73, %sign3A : i32
      %sign3A_75 = arith.extui %sign3A_74 : i1 to i32
      %sign3A_76 = arith.constant 0 : i32
      %sign3A_77 = arith.cmpi slt, %add3A_73, %sign3A_76 : i32
      %sign3A_78 = arith.extui %sign3A_77 : i1 to i32
      %sign3A_79 = arith.subi %sign3A_75, %sign3A_78 : i32
      %sign3A_80 = arith.constant 0 : i32
      %sign3A_81 = arith.cmpi sgt, %jit3A, %sign3A_80 : i32
      %sign3A_82 = arith.extui %sign3A_81 : i1 to i32
      %sign3A_83 = arith.constant 0 : i32
      %sign3A_84 = arith.cmpi slt, %jit3A, %sign3A_83 : i32
      %sign3A_85 = arith.extui %sign3A_84 : i1 to i32
      %sign3A_86 = arith.subi %sign3A_82, %sign3A_85 : i32
      %ne3A = arith.cmpi ne, %sign3A_79, %sign3A_86 : i32
      %rem3A = arith.remsi %add3A_73, %jit3A : i32
      %ne3A_87 = arith.constant 0 : i32
      %ne3A_88 = arith.cmpi ne, %rem3A, %ne3A_87 : i32
      %and3A = arith.andi %ne3A, %ne3A_88 : i1
      %sub3A = arith.constant 1 : i32
      %sub3A_89 = arith.subi %div3A, %sub3A : i32
      %select_n3A = arith.select %and3A, %sub3A_89, %div3A : i32
      %mul3A_90 = arith.constant 6400 : i32
      %mul3A_91 = arith.muli %select_n3A, %mul3A_90 : i32
      %jit3A_92 = arith.constant 50 : i32
      %eq3A = arith.constant 0 : i32
      %eq3A_93 = arith.cmpi eq, %jit3A_92, %eq3A : i32
      %jit3A_94 = arith.constant 1 : i32
      %select_n3A_95 = arith.select %eq3A_93, %jit3A_94, %jit3A_92 : i32
      %rem3A_96 = arith.remsi %add3A_73, %select_n3A_95 : i32
      %ne3A_97 = arith.constant 0 : i32
      %ne3A_98 = arith.cmpi ne, %rem3A_96, %ne3A_97 : i32
      %lt3A = arith.constant 0 : i32
      %lt3A_99 = arith.cmpi slt, %rem3A_96, %lt3A : i32
      %lt3A_100 = arith.constant 0 : i32
      %lt3A_101 = arith.cmpi slt, %select_n3A_95, %lt3A_100 : i32
      %ne3A_102 = arith.xori %lt3A_99, %lt3A_101 : i1
      %and3A_103 = arith.andi %ne3A_102, %ne3A_98 : i1
      %add3A_104 = arith.addi %rem3A_96, %select_n3A_95 : i32
      %select_n3A_105 = arith.select %and3A_103, %add3A_104, %rem3A_96 : i32
      %add3A_106 = arith.addi %mul3A_91, %select_n3A_105 : i32
      %parallel_loop3A_107 = arith.constant 0 : i32
      %parallel_loop3A_108 = arith.constant 8 : i32
      %parallel_loop3A_109 = arith.constant 1 : i32
      scf.for %parallel_loop3A_247 = %parallel_loop3A_107 to %parallel_loop3A_108 step %parallel_loop3A_109  : i32 {
        %parallel_loop3A_248 = arith.constant 800 : i32
        %parallel_loop3A_249 = arith.muli %parallel_loop3A_247, %parallel_loop3A_248 : i32
        %parallel_loop3A_250 = arith.addi %parallel_loop3A_249, %add3A_106 : i32
        %parallel_loop3A_251 = vector.broadcast %parallel_loop3A_250 : i32 to vector<16xi32>
        %parallel_loop3A_252 = arith.addi %mul3A_29, %parallel_loop3A_251 : vector<16xi32>
        %parallel_loop3A_253 = arith.constant 7 : i32
        %parallel_loop3A_254 = vector.broadcast %parallel_loop3A_253 : i32 to vector<16xi32>
        %parallel_loop3A_255 = arith.shrsi %parallel_loop3A_252, %parallel_loop3A_254 : vector<16xi32>
        %parallel_loop3A_256 = arith.constant 127 : i32
        %parallel_loop3A_257 = vector.broadcast %parallel_loop3A_256 : i32 to vector<16xi32>
        %parallel_loop3A_258 = arith.andi %parallel_loop3A_252, %parallel_loop3A_257 : vector<16xi32>
        %parallel_loop3A_259 = tpu.vector_load_idx %arg5[%parallel_loop3A_255, %parallel_loop3A_258] : memref<200x128xi32, #tpu.memory_space<vmem>>[vector<16xi32>, vector<16xi32>], vector<16xi32>,
        %parallel_loop3A_260 = arith.constant 16 : i32
        %parallel_loop3A_261 = arith.muli %parallel_loop3A_247, %parallel_loop3A_260 : i32
        %parallel_loop3A_262 = arith.index_cast %parallel_loop3A_261 : i32 to index
        %parallel_loop3A_263 = tpu.vector_load %arg7[%parallel_loop3A_262] {strides = array<i32>} : memref<128xi32, #tpu.memory_space<vmem>>, vector<16xi32>,
        tpu.vector_store %arg7[%parallel_loop3A_262], %parallel_loop3A_259 {strides = array<i32>} : memref<128xi32, #tpu.memory_space<vmem>>, vector<16xi32>,
      } {sc.loop_unroll_factor = 8 : i64, sc.parallel_access}
      %dma_start3A_110 = arith.constant 0 : i32
      %dma_start3A_111 = arith.constant 0 : i32
      %dma_start3A_112 = tpu.memref_slice %arg2[%dma_start3A_110, %dma_start3A_111] : memref<1000000x32xf32, #tpu.memory_space<hbm>> -> memref<1000000x32xf32, #tpu.memory_space<hbm>>
      tpu.enqueue_indirect_dma source(%dma_start3A_112 : memref<1000000x32xf32, #tpu.memory_space<hbm>>) target(%arg9 : memref<128x32xf32, #tpu.memory_space<vmem>>) offsets(%arg7 : memref<128xi32, #tpu.memory_space<vmem>>) semaphore(%arg13 : memref<!tpu.dma_semaphore, #tpu.memory_space<semaphore_mem>>)
      %dma_wait3A_113 = arith.constant 0 : i32
      %dma_wait3A_114 = arith.constant 0 : i32
      %dma_wait3A_115 = tpu.memref_slice %arg2[%dma_wait3A_113, %dma_wait3A_114] : memref<1000000x32xf32, #tpu.memory_space<hbm>> -> memref<1000000x32xf32, #tpu.memory_space<hbm>>
      tpu.wait_indirect_dma semaphore(%arg12 : memref<!tpu.dma_semaphore, #tpu.memory_space<semaphore_mem>>) src(%dma_wait3A_115 : memref<1000000x32xf32, #tpu.memory_space<hbm>>) dst(%arg8 : memref<128x32xf32, #tpu.memory_space<vmem>>)
      %parallel_loop3A_116 = arith.constant 0 : i32
      %parallel_loop3A_117 = arith.constant 32 : i32
      %parallel_loop3A_118 = arith.constant 1 : i32
      scf.for %parallel_loop3A_247 = %parallel_loop3A_116 to %parallel_loop3A_117 step %parallel_loop3A_118  : i32 {
        %parallel_loop3A_248 = vector.broadcast %parallel_loop3A_247 : i32 to vector<16xi32>
        %parallel_loop3A_249 = tpu.vector_load_idx %arg8[%add3A_5, %parallel_loop3A_248] : memref<128x32xf32, #tpu.memory_space<vmem>>[vector<16xi32>, vector<16xi32>], vector<16xf32>,
        %parallel_loop3A_250 = arith.constant 3 : i32
        %parallel_loop3A_251 = arith.shrsi %parallel_loop3A_247, %parallel_loop3A_250 : i32
        %parallel_loop3A_252 = arith.constant 7 : i32
        %parallel_loop3A_253 = arith.andi %parallel_loop3A_247, %parallel_loop3A_252 : i32
        %parallel_loop3A_254 = arith.index_cast %parallel_loop3A_251 : i32 to index
        %parallel_loop3A_255 = arith.index_cast %parallel_loop3A_253 : i32 to index
        %parallel_loop3A_256 = arith.constant 0 : index
        %parallel_loop3A_257 = tpu.vector_load %arg10[%parallel_loop3A_254, %parallel_loop3A_255, %parallel_loop3A_256] {strides = array<i32>} : memref<4x8x128xf32, #tpu.memory_space<vmem>>, vector<16xf32>,
        tpu.vector_store %arg10[%parallel_loop3A_254, %parallel_loop3A_255, %parallel_loop3A_256], %parallel_loop3A_249 {strides = array<i32>} : memref<4x8x128xf32, #tpu.memory_space<vmem>>, vector<16xf32>,
        %parallel_loop3A_258 = tpu.vector_load_idx %arg8[%add3A_8, %parallel_loop3A_248] : memref<128x32xf32, #tpu.memory_space<vmem>>[vector<16xi32>, vector<16xi32>], vector<16xf32>,
        %parallel_loop3A_259 = arith.constant 3 : i32
        %parallel_loop3A_260 = arith.shrsi %parallel_loop3A_247, %parallel_loop3A_259 : i32
        %parallel_loop3A_261 = arith.constant 7 : i32
        %parallel_loop3A_262 = arith.andi %parallel_loop3A_247, %parallel_loop3A_261 : i32
        %parallel_loop3A_263 = arith.index_cast %parallel_loop3A_260 : i32 to index
        %parallel_loop3A_264 = arith.index_cast %parallel_loop3A_262 : i32 to index
        %parallel_loop3A_265 = arith.constant 16 : index
        %parallel_loop3A_266 = tpu.vector_load %arg10[%parallel_loop3A_263, %parallel_loop3A_264, %parallel_loop3A_265] {strides = array<i32>} : memref<4x8x128xf32, #tpu.memory_space<vmem>>, vector<16xf32>,
        tpu.vector_store %arg10[%parallel_loop3A_263, %parallel_loop3A_264, %parallel_loop3A_265], %parallel_loop3A_258 {strides = array<i32>} : memref<4x8x128xf32, #tpu.memory_space<vmem>>, vector<16xf32>,
        %parallel_loop3A_267 = tpu.vector_load_idx %arg8[%add3A_11, %parallel_loop3A_248] : memref<128x32xf32, #tpu.memory_space<vmem>>[vector<16xi32>, vector<16xi32>], vector<16xf32>,
        %parallel_loop3A_268 = arith.constant 3 : i32
        %parallel_loop3A_269 = arith.shrsi %parallel_loop3A_247, %parallel_loop3A_268 : i32
        %parallel_loop3A_270 = arith.constant 7 : i32
        %parallel_loop3A_271 = arith.andi %parallel_loop3A_247, %parallel_loop3A_270 : i32
        %parallel_loop3A_272 = arith.index_cast %parallel_loop3A_269 : i32 to index
        %parallel_loop3A_273 = arith.index_cast %parallel_loop3A_271 : i32 to index
        %parallel_loop3A_274 = arith.constant 32 : index
        %parallel_loop3A_275 = tpu.vector_load %arg10[%parallel_loop3A_272, %parallel_loop3A_273, %parallel_loop3A_274] {strides = array<i32>} : memref<4x8x128xf32, #tpu.memory_space<vmem>>, vector<16xf32>,
        tpu.vector_store %arg10[%parallel_loop3A_272, %parallel_loop3A_273, %parallel_loop3A_274], %parallel_loop3A_267 {strides = array<i32>} : memref<4x8x128xf32, #tpu.memory_space<vmem>>, vector<16xf32>,
        %parallel_loop3A_276 = tpu.vector_load_idx %arg8[%add3A_14, %parallel_loop3A_248] : memref<128x32xf32, #tpu.memory_space<vmem>>[vector<16xi32>, vector<16xi32>], vector<16xf32>,
        %parallel_loop3A_277 = arith.constant 3 : i32
        %parallel_loop3A_278 = arith.shrsi %parallel_loop3A_247, %parallel_loop3A_277 : i32
        %parallel_loop3A_279 = arith.constant 7 : i32
        %parallel_loop3A_280 = arith.andi %parallel_loop3A_247, %parallel_loop3A_279 : i32
        %parallel_loop3A_281 = arith.index_cast %parallel_loop3A_278 : i32 to index
        %parallel_loop3A_282 = arith.index_cast %parallel_loop3A_280 : i32 to index
        %parallel_loop3A_283 = arith.constant 48 : index
        %parallel_loop3A_284 = tpu.vector_load %arg10[%parallel_loop3A_281, %parallel_loop3A_282, %parallel_loop3A_283] {strides = array<i32>} : memref<4x8x128xf32, #tpu.memory_space<vmem>>, vector<16xf32>,
        tpu.vector_store %arg10[%parallel_loop3A_281, %parallel_loop3A_282, %parallel_loop3A_283], %parallel_loop3A_276 {strides = array<i32>} : memref<4x8x128xf32, #tpu.memory_space<vmem>>, vector<16xf32>,
        %parallel_loop3A_285 = tpu.vector_load_idx %arg8[%add3A_17, %parallel_loop3A_248] : memref<128x32xf32, #tpu.memory_space<vmem>>[vector<16xi32>, vector<16xi32>], vector<16xf32>,
        %parallel_loop3A_286 = arith.constant 3 : i32
        %parallel_loop3A_287 = arith.shrsi %parallel_loop3A_247, %parallel_loop3A_286 : i32
        %parallel_loop3A_288 = arith.constant 7 : i32
        %parallel_loop3A_289 = arith.andi %parallel_loop3A_247, %parallel_loop3A_288 : i32
        %parallel_loop3A_290 = arith.index_cast %parallel_loop3A_287 : i32 to index
        %parallel_loop3A_291 = arith.index_cast %parallel_loop3A_289 : i32 to index
        %parallel_loop3A_292 = arith.constant 64 : index
        %parallel_loop3A_293 = tpu.vector_load %arg10[%parallel_loop3A_290, %parallel_loop3A_291, %parallel_loop3A_292] {strides = array<i32>} : memref<4x8x128xf32, #tpu.memory_space<vmem>>, vector<16xf32>,
        tpu.vector_store %arg10[%parallel_loop3A_290, %parallel_loop3A_291, %parallel_loop3A_292], %parallel_loop3A_285 {strides = array<i32>} : memref<4x8x128xf32, #tpu.memory_space<vmem>>, vector<16xf32>,
        %parallel_loop3A_294 = tpu.vector_load_idx %arg8[%add3A_20, %parallel_loop3A_248] : memref<128x32xf32, #tpu.memory_space<vmem>>[vector<16xi32>, vector<16xi32>], vector<16xf32>,
        %parallel_loop3A_295 = arith.constant 3 : i32
        %parallel_loop3A_296 = arith.shrsi %parallel_loop3A_247, %parallel_loop3A_295 : i32
        %parallel_loop3A_297 = arith.constant 7 : i32
        %parallel_loop3A_298 = arith.andi %parallel_loop3A_247, %parallel_loop3A_297 : i32
        %parallel_loop3A_299 = arith.index_cast %parallel_loop3A_296 : i32 to index
        %parallel_loop3A_300 = arith.index_cast %parallel_loop3A_298 : i32 to index
        %parallel_loop3A_301 = arith.constant 80 : index
        %parallel_loop3A_302 = tpu.vector_load %arg10[%parallel_loop3A_299, %parallel_loop3A_300, %parallel_loop3A_301] {strides = array<i32>} : memref<4x8x128xf32, #tpu.memory_space<vmem>>, vector<16xf32>,
        tpu.vector_store %arg10[%parallel_loop3A_299, %parallel_loop3A_300, %parallel_loop3A_301], %parallel_loop3A_294 {strides = array<i32>} : memref<4x8x128xf32, #tpu.memory_space<vmem>>, vector<16xf32>,
        %parallel_loop3A_303 = tpu.vector_load_idx %arg8[%add3A_23, %parallel_loop3A_248] : memref<128x32xf32, #tpu.memory_space<vmem>>[vector<16xi32>, vector<16xi32>], vector<16xf32>,
        %parallel_loop3A_304 = arith.constant 3 : i32
        %parallel_loop3A_305 = arith.shrsi %parallel_loop3A_247, %parallel_loop3A_304 : i32
        %parallel_loop3A_306 = arith.constant 7 : i32
        %parallel_loop3A_307 = arith.andi %parallel_loop3A_247, %parallel_loop3A_306 : i32
        %parallel_loop3A_308 = arith.index_cast %parallel_loop3A_305 : i32 to index
        %parallel_loop3A_309 = arith.index_cast %parallel_loop3A_307 : i32 to index
        %parallel_loop3A_310 = arith.constant 96 : index
        %parallel_loop3A_311 = tpu.vector_load %arg10[%parallel_loop3A_308, %parallel_loop3A_309, %parallel_loop3A_310] {strides = array<i32>} : memref<4x8x128xf32, #tpu.memory_space<vmem>>, vector<16xf32>,
        tpu.vector_store %arg10[%parallel_loop3A_308, %parallel_loop3A_309, %parallel_loop3A_310], %parallel_loop3A_303 {strides = array<i32>} : memref<4x8x128xf32, #tpu.memory_space<vmem>>, vector<16xf32>,
        %parallel_loop3A_312 = tpu.vector_load_idx %arg8[%add3A_26, %parallel_loop3A_248] : memref<128x32xf32, #tpu.memory_space<vmem>>[vector<16xi32>, vector<16xi32>], vector<16xf32>,
        %parallel_loop3A_313 = arith.constant 3 : i32
        %parallel_loop3A_314 = arith.shrsi %parallel_loop3A_247, %parallel_loop3A_313 : i32
        %parallel_loop3A_315 = arith.constant 7 : i32
        %parallel_loop3A_316 = arith.andi %parallel_loop3A_247, %parallel_loop3A_315 : i32
        %parallel_loop3A_317 = arith.index_cast %parallel_loop3A_314 : i32 to index
        %parallel_loop3A_318 = arith.index_cast %parallel_loop3A_316 : i32 to index
        %parallel_loop3A_319 = arith.constant 112 : index
        %parallel_loop3A_320 = tpu.vector_load %arg10[%parallel_loop3A_317, %parallel_loop3A_318, %parallel_loop3A_319] {strides = array<i32>} : memref<4x8x128xf32, #tpu.memory_space<vmem>>, vector<16xf32>,
        tpu.vector_store %arg10[%parallel_loop3A_317, %parallel_loop3A_318, %parallel_loop3A_319], %parallel_loop3A_312 {strides = array<i32>} : memref<4x8x128xf32, #tpu.memory_space<vmem>>, vector<16xf32>,
      } {sc.loop_unroll_factor = 4 : i64, sc.parallel_access}
      %ge3A = arith.constant 2 : i32
      %ge3A_119 = arith.cmpi sge, %add3A_71, %ge3A : i32
      %convert_element_type3A = arith.extui %ge3A_119 : i1 to i32
      %cond3A = arith.constant 0 : i32
      %cond3A_120 = arith.cmpi ne, %convert_element_type3A, %cond3A : i32
      scf.if %cond3A_120 {
        %sub3A_247 = arith.constant 2 : i32
        %sub3A_248 = arith.subi %add3A_71, %sub3A_247 : i32
        %jit3A_249 = arith.constant 50 : i32
        %eq3A_250 = arith.constant 0 : i32
        %eq3A_251 = arith.cmpi eq, %jit3A_249, %eq3A_250 : i32
        %jit3A_252 = arith.constant 1 : i32
        %select_n3A_253 = arith.select %eq3A_251, %jit3A_252, %jit3A_249 : i32
        %rem3A_254 = arith.remsi %sub3A_248, %select_n3A_253 : i32
        %ne3A_255 = arith.constant 0 : i32
        %ne3A_256 = arith.cmpi ne, %rem3A_254, %ne3A_255 : i32
        %lt3A_257 = arith.constant 0 : i32
        %lt3A_258 = arith.cmpi slt, %rem3A_254, %lt3A_257 : i32
        %lt3A_259 = arith.constant 0 : i32
        %lt3A_260 = arith.cmpi slt, %select_n3A_253, %lt3A_259 : i32
        %ne3A_261 = arith.xori %lt3A_258, %lt3A_260 : i1
        %and3A_262 = arith.andi %ne3A_261, %ne3A_256 : i1
        %add3A_263 = arith.addi %rem3A_254, %select_n3A_253 : i32
        %select_n3A_264 = arith.select %and3A_262, %add3A_263, %rem3A_254 : i32
        %mul3A_265 = arith.constant 4 : i32
        %mul3A_266 = arith.muli %add3A, %mul3A_265 : i32
        %jit3A_267 = arith.constant 50 : i32
        %div3A_268 = arith.divsi %sub3A_248, %jit3A_267 : i32
        %sign3A_269 = arith.constant 0 : i32
        %sign3A_270 = arith.cmpi sgt, %sub3A_248, %sign3A_269 : i32
        %sign3A_271 = arith.extui %sign3A_270 : i1 to i32
        %sign3A_272 = arith.constant 0 : i32
        %sign3A_273 = arith.cmpi slt, %sub3A_248, %sign3A_272 : i32
        %sign3A_274 = arith.extui %sign3A_273 : i1 to i32
        %sign3A_275 = arith.subi %sign3A_271, %sign3A_274 : i32
        %sign3A_276 = arith.constant 0 : i32
        %sign3A_277 = arith.cmpi sgt, %jit3A_267, %sign3A_276 : i32
        %sign3A_278 = arith.extui %sign3A_277 : i1 to i32
        %sign3A_279 = arith.constant 0 : i32
        %sign3A_280 = arith.cmpi slt, %jit3A_267, %sign3A_279 : i32
        %sign3A_281 = arith.extui %sign3A_280 : i1 to i32
        %sign3A_282 = arith.subi %sign3A_278, %sign3A_281 : i32
        %ne3A_283 = arith.cmpi ne, %sign3A_275, %sign3A_282 : i32
        %rem3A_284 = arith.remsi %sub3A_248, %jit3A_267 : i32
        %ne3A_285 = arith.constant 0 : i32
        %ne3A_286 = arith.cmpi ne, %rem3A_284, %ne3A_285 : i32
        %and3A_287 = arith.andi %ne3A_283, %ne3A_286 : i1
        %sub3A_288 = arith.constant 1 : i32
        %sub3A_289 = arith.subi %div3A_268, %sub3A_288 : i32
        %select_n3A_290 = arith.select %and3A_287, %sub3A_289, %div3A_268 : i32
        %add3A_291 = arith.addi %mul3A_266, %select_n3A_290 : i32
        %dma_wait3A_292 = arith.constant 0 : i32
        %dma_wait3A_293 = arith.constant 0 : i32
        %dma_wait3A_294 = arith.constant 0 : i32
        %dma_wait3A_295 = tpu.memref_slice %arg4[%select_n3A_264, %dma_wait3A_292, %add3A_291, %dma_wait3A_293, %dma_wait3A_294] : memref<50x4x128x8x128xf32, #tpu.memory_space<hbm>> -> memref<1x4x1x8x128xf32, #tpu.memory_space<hbm>>
        %dma_wait3A_296 = tpu.memref_squeeze %dma_wait3A_295 : memref<1x4x1x8x128xf32, #tpu.memory_space<hbm>> -> memref<4x8x128xf32, #tpu.memory_space<hbm>>
        %dma_wait3A_297 = arith.constant 0 : i32
        %dma_wait3A_298 = arith.constant 0 : i32
        %dma_wait3A_299 = arith.constant 0 : i32
        %dma_wait3A_300 = tpu.memref_slice %arg4[%select_n3A_264, %dma_wait3A_297, %add3A_291, %dma_wait3A_298, %dma_wait3A_299] : memref<50x4x128x8x128xf32, #tpu.memory_space<hbm>> -> memref<1x4x1x8x128xf32, #tpu.memory_space<hbm>>
        %dma_wait3A_301 = tpu.memref_squeeze %dma_wait3A_300 : memref<1x4x1x8x128xf32, #tpu.memory_space<hbm>> -> memref<4x8x128xf32, #tpu.memory_space<hbm>>
        tpu.wait_dma2 semaphore(%arg14 : memref<!tpu.dma_semaphore, #tpu.memory_space<semaphore_mem>>) src(%arg10 : memref<4x8x128xf32, #tpu.memory_space<vmem>>) dst(%dma_wait3A_301 : memref<4x8x128xf32, #tpu.memory_space<hbm>>)
      } else {
      }
      %jit3A_121 = arith.constant 50 : i32
      %eq3A_122 = arith.constant 0 : i32
      %eq3A_123 = arith.cmpi eq, %jit3A_121, %eq3A_122 : i32
      %jit3A_124 = arith.constant 1 : i32
      %select_n3A_125 = arith.select %eq3A_123, %jit3A_124, %jit3A_121 : i32
      %rem3A_126 = arith.remsi %add3A_71, %select_n3A_125 : i32
      %ne3A_127 = arith.constant 0 : i32
      %ne3A_128 = arith.cmpi ne, %rem3A_126, %ne3A_127 : i32
      %lt3A_129 = arith.constant 0 : i32
      %lt3A_130 = arith.cmpi slt, %rem3A_126, %lt3A_129 : i32
      %lt3A_131 = arith.constant 0 : i32
      %lt3A_132 = arith.cmpi slt, %select_n3A_125, %lt3A_131 : i32
      %ne3A_133 = arith.xori %lt3A_130, %lt3A_132 : i1
      %and3A_134 = arith.andi %ne3A_133, %ne3A_128 : i1
      %add3A_135 = arith.addi %rem3A_126, %select_n3A_125 : i32
      %select_n3A_136 = arith.select %and3A_134, %add3A_135, %rem3A_126 : i32
      %mul3A_137 = arith.constant 4 : i32
      %mul3A_138 = arith.muli %add3A, %mul3A_137 : i32
      %jit3A_139 = arith.constant 50 : i32
      %div3A_140 = arith.divsi %add3A_71, %jit3A_139 : i32
      %sign3A_141 = arith.constant 0 : i32
      %sign3A_142 = arith.cmpi sgt, %add3A_71, %sign3A_141 : i32
      %sign3A_143 = arith.extui %sign3A_142 : i1 to i32
      %sign3A_144 = arith.constant 0 : i32
      %sign3A_145 = arith.cmpi slt, %add3A_71, %sign3A_144 : i32
      %sign3A_146 = arith.extui %sign3A_145 : i1 to i32
      %sign3A_147 = arith.subi %sign3A_143, %sign3A_146 : i32
      %sign3A_148 = arith.constant 0 : i32
      %sign3A_149 = arith.cmpi sgt, %jit3A_139, %sign3A_148 : i32
      %sign3A_150 = arith.extui %sign3A_149 : i1 to i32
      %sign3A_151 = arith.constant 0 : i32
      %sign3A_152 = arith.cmpi slt, %jit3A_139, %sign3A_151 : i32
      %sign3A_153 = arith.extui %sign3A_152 : i1 to i32
      %sign3A_154 = arith.subi %sign3A_150, %sign3A_153 : i32
      %ne3A_155 = arith.cmpi ne, %sign3A_147, %sign3A_154 : i32
      %rem3A_156 = arith.remsi %add3A_71, %jit3A_139 : i32
      %ne3A_157 = arith.constant 0 : i32
      %ne3A_158 = arith.cmpi ne, %rem3A_156, %ne3A_157 : i32
      %and3A_159 = arith.andi %ne3A_155, %ne3A_158 : i1
      %sub3A_160 = arith.constant 1 : i32
      %sub3A_161 = arith.subi %div3A_140, %sub3A_160 : i32
      %select_n3A_162 = arith.select %and3A_159, %sub3A_161, %div3A_140 : i32
      %add3A_163 = arith.addi %mul3A_138, %select_n3A_162 : i32
      %dma_start3A_164 = arith.constant 0 : i32
      %dma_start3A_165 = arith.constant 0 : i32
      %dma_start3A_166 = arith.constant 0 : i32
      %dma_start3A_167 = tpu.memref_slice %arg4[%select_n3A_136, %dma_start3A_164, %add3A_163, %dma_start3A_165, %dma_start3A_166] : memref<50x4x128x8x128xf32, #tpu.memory_space<hbm>> -> memref<1x4x1x8x128xf32, #tpu.memory_space<hbm>>
      %dma_start3A_168 = tpu.memref_squeeze %dma_start3A_167 : memref<1x4x1x8x128xf32, #tpu.memory_space<hbm>> -> memref<4x8x128xf32, #tpu.memory_space<hbm>>
      %dma_start3A_169 = arith.constant 0 : i32
      %dma_start3A_170 = arith.constant 0 : i32
      %dma_start3A_171 = arith.constant 0 : i32
      %dma_start3A_172 = tpu.memref_slice %arg4[%select_n3A_136, %dma_start3A_169, %add3A_163, %dma_start3A_170, %dma_start3A_171] : memref<50x4x128x8x128xf32, #tpu.memory_space<hbm>> -> memref<1x4x1x8x128xf32, #tpu.memory_space<hbm>>
      %dma_start3A_173 = tpu.memref_squeeze %dma_start3A_172 : memref<1x4x1x8x128xf32, #tpu.memory_space<hbm>> -> memref<4x8x128xf32, #tpu.memory_space<hbm>>
      tpu.enqueue_dma source(%arg10 : memref<4x8x128xf32, #tpu.memory_space<vmem>>) target(%dma_start3A_173 : memref<4x8x128xf32, #tpu.memory_space<hbm>>) target_semaphore(%arg14 : memref<!tpu.dma_semaphore, #tpu.memory_space<semaphore_mem>>)
      %add3A_174 = arith.constant 2 : i32
      %add3A_175 = arith.addi %add3A_71, %add3A_174 : i32
      %lt3A_176 = arith.constant 200 : i32
      %lt3A_177 = arith.cmpi slt, %add3A_175, %lt3A_176 : i32
      %convert_element_type3A_178 = arith.extui %lt3A_177 : i1 to i32
      %cond3A_179 = arith.constant 0 : i32
      %cond3A_180 = arith.cmpi ne, %convert_element_type3A_178, %cond3A_179 : i32
      scf.if %cond3A_180 {
        %add3A_247 = arith.constant 2 : i32
        %add3A_248 = arith.addi %add3A_71, %add3A_247 : i32
        %jit3A_249 = arith.constant 50 : i32
        %div3A_250 = arith.divsi %add3A_248, %jit3A_249 : i32
        %sign3A_251 = arith.constant 0 : i32
        %sign3A_252 = arith.cmpi sgt, %add3A_248, %sign3A_251 : i32
        %sign3A_253 = arith.extui %sign3A_252 : i1 to i32
        %sign3A_254 = arith.constant 0 : i32
        %sign3A_255 = arith.cmpi slt, %add3A_248, %sign3A_254 : i32
        %sign3A_256 = arith.extui %sign3A_255 : i1 to i32
        %sign3A_257 = arith.subi %sign3A_253, %sign3A_256 : i32
        %sign3A_258 = arith.constant 0 : i32
        %sign3A_259 = arith.cmpi sgt, %jit3A_249, %sign3A_258 : i32
        %sign3A_260 = arith.extui %sign3A_259 : i1 to i32
        %sign3A_261 = arith.constant 0 : i32
        %sign3A_262 = arith.cmpi slt, %jit3A_249, %sign3A_261 : i32
        %sign3A_263 = arith.extui %sign3A_262 : i1 to i32
        %sign3A_264 = arith.subi %sign3A_260, %sign3A_263 : i32
        %ne3A_265 = arith.cmpi ne, %sign3A_257, %sign3A_264 : i32
        %rem3A_266 = arith.remsi %add3A_248, %jit3A_249 : i32
        %ne3A_267 = arith.constant 0 : i32
        %ne3A_268 = arith.cmpi ne, %rem3A_266, %ne3A_267 : i32
        %and3A_269 = arith.andi %ne3A_265, %ne3A_268 : i1
        %sub3A_270 = arith.constant 1 : i32
        %sub3A_271 = arith.subi %div3A_250, %sub3A_270 : i32
        %select_n3A_272 = arith.select %and3A_269, %sub3A_271, %div3A_250 : i32
        %mul3A_273 = arith.constant 6400 : i32
        %mul3A_274 = arith.muli %select_n3A_272, %mul3A_273 : i32
        %jit3A_275 = arith.constant 50 : i32
        %eq3A_276 = arith.constant 0 : i32
        %eq3A_277 = arith.cmpi eq, %jit3A_275, %eq3A_276 : i32
        %jit3A_278 = arith.constant 1 : i32
        %select_n3A_279 = arith.select %eq3A_277, %jit3A_278, %jit3A_275 : i32
        %rem3A_280 = arith.remsi %add3A_248, %select_n3A_279 : i32
        %ne3A_281 = arith.constant 0 : i32
        %ne3A_282 = arith.cmpi ne, %rem3A_280, %ne3A_281 : i32
        %lt3A_283 = arith.constant 0 : i32
        %lt3A_284 = arith.cmpi slt, %rem3A_280, %lt3A_283 : i32
        %lt3A_285 = arith.constant 0 : i32
        %lt3A_286 = arith.cmpi slt, %select_n3A_279, %lt3A_285 : i32
        %ne3A_287 = arith.xori %lt3A_284, %lt3A_286 : i1
        %and3A_288 = arith.andi %ne3A_287, %ne3A_282 : i1
        %add3A_289 = arith.addi %rem3A_280, %select_n3A_279 : i32
        %select_n3A_290 = arith.select %and3A_288, %add3A_289, %rem3A_280 : i32
        %add3A_291 = arith.addi %mul3A_274, %select_n3A_290 : i32
        %parallel_loop3A_292 = arith.constant 0 : i32
        %parallel_loop3A_293 = arith.constant 8 : i32
        %parallel_loop3A_294 = arith.constant 1 : i32
        scf.for %parallel_loop3A_298 = %parallel_loop3A_292 to %parallel_loop3A_293 step %parallel_loop3A_294  : i32 {
          %parallel_loop3A_299 = arith.constant 800 : i32
          %parallel_loop3A_300 = arith.muli %parallel_loop3A_298, %parallel_loop3A_299 : i32
          %parallel_loop3A_301 = arith.addi %parallel_loop3A_300, %add3A_291 : i32
          %parallel_loop3A_302 = vector.broadcast %parallel_loop3A_301 : i32 to vector<16xi32>
          %parallel_loop3A_303 = arith.addi %mul3A_29, %parallel_loop3A_302 : vector<16xi32>
          %parallel_loop3A_304 = arith.constant 7 : i32
          %parallel_loop3A_305 = vector.broadcast %parallel_loop3A_304 : i32 to vector<16xi32>
          %parallel_loop3A_306 = arith.shrsi %parallel_loop3A_303, %parallel_loop3A_305 : vector<16xi32>
          %parallel_loop3A_307 = arith.constant 127 : i32
          %parallel_loop3A_308 = vector.broadcast %parallel_loop3A_307 : i32 to vector<16xi32>
          %parallel_loop3A_309 = arith.andi %parallel_loop3A_303, %parallel_loop3A_308 : vector<16xi32>
          %parallel_loop3A_310 = tpu.vector_load_idx %arg5[%parallel_loop3A_306, %parallel_loop3A_309] : memref<200x128xi32, #tpu.memory_space<vmem>>[vector<16xi32>, vector<16xi32>], vector<16xi32>,
          %parallel_loop3A_311 = arith.constant 16 : i32
          %parallel_loop3A_312 = arith.muli %parallel_loop3A_298, %parallel_loop3A_311 : i32
          %parallel_loop3A_313 = arith.index_cast %parallel_loop3A_312 : i32 to index
          %parallel_loop3A_314 = tpu.vector_load %arg6[%parallel_loop3A_313] {strides = array<i32>} : memref<128xi32, #tpu.memory_space<vmem>>, vector<16xi32>,
          tpu.vector_store %arg6[%parallel_loop3A_313], %parallel_loop3A_310 {strides = array<i32>} : memref<128xi32, #tpu.memory_space<vmem>>, vector<16xi32>,
        } {sc.loop_unroll_factor = 8 : i64, sc.parallel_access}
        %dma_start3A_295 = arith.constant 0 : i32
        %dma_start3A_296 = arith.constant 0 : i32
        %dma_start3A_297 = tpu.memref_slice %arg2[%dma_start3A_295, %dma_start3A_296] : memref<1000000x32xf32, #tpu.memory_space<hbm>> -> memref<1000000x32xf32, #tpu.memory_space<hbm>>
        tpu.enqueue_indirect_dma source(%dma_start3A_297 : memref<1000000x32xf32, #tpu.memory_space<hbm>>) target(%arg8 : memref<128x32xf32, #tpu.memory_space<vmem>>) offsets(%arg6 : memref<128xi32, #tpu.memory_space<vmem>>) semaphore(%arg12 : memref<!tpu.dma_semaphore, #tpu.memory_space<semaphore_mem>>)
      } else {
      }
      %dma_wait3A_181 = arith.constant 0 : i32
      %dma_wait3A_182 = arith.constant 0 : i32
      %dma_wait3A_183 = tpu.memref_slice %arg2[%dma_wait3A_181, %dma_wait3A_182] : memref<1000000x32xf32, #tpu.memory_space<hbm>> -> memref<1000000x32xf32, #tpu.memory_space<hbm>>
      tpu.wait_indirect_dma semaphore(%arg13 : memref<!tpu.dma_semaphore, #tpu.memory_space<semaphore_mem>>) src(%dma_wait3A_183 : memref<1000000x32xf32, #tpu.memory_space<hbm>>) dst(%arg9 : memref<128x32xf32, #tpu.memory_space<vmem>>)
      %add3A_184 = arith.constant 1 : i32
      %add3A_185 = arith.addi %add3A_71, %add3A_184 : i32
      %parallel_loop3A_186 = arith.constant 0 : i32
      %parallel_loop3A_187 = arith.constant 32 : i32
      %parallel_loop3A_188 = arith.constant 1 : i32
      scf.for %parallel_loop3A_247 = %parallel_loop3A_186 to %parallel_loop3A_187 step %parallel_loop3A_188  : i32 {
        %parallel_loop3A_248 = vector.broadcast %parallel_loop3A_247 : i32 to vector<16xi32>
        %parallel_loop3A_249 = tpu.vector_load_idx %arg9[%add3A_5, %parallel_loop3A_248] : memref<128x32xf32, #tpu.memory_space<vmem>>[vector<16xi32>, vector<16xi32>], vector<16xf32>,
        %parallel_loop3A_250 = arith.constant 3 : i32
        %parallel_loop3A_251 = arith.shrsi %parallel_loop3A_247, %parallel_loop3A_250 : i32
        %parallel_loop3A_252 = arith.constant 7 : i32
        %parallel_loop3A_253 = arith.andi %parallel_loop3A_247, %parallel_loop3A_252 : i32
        %parallel_loop3A_254 = arith.index_cast %parallel_loop3A_251 : i32 to index
        %parallel_loop3A_255 = arith.index_cast %parallel_loop3A_253 : i32 to index
        %parallel_loop3A_256 = arith.constant 0 : index
        %parallel_loop3A_257 = tpu.vector_load %arg11[%parallel_loop3A_254, %parallel_loop3A_255, %parallel_loop3A_256] {strides = array<i32>} : memref<4x8x128xf32, #tpu.memory_space<vmem>>, vector<16xf32>,
        tpu.vector_store %arg11[%parallel_loop3A_254, %parallel_loop3A_255, %parallel_loop3A_256], %parallel_loop3A_249 {strides = array<i32>} : memref<4x8x128xf32, #tpu.memory_space<vmem>>, vector<16xf32>,
        %parallel_loop3A_258 = tpu.vector_load_idx %arg9[%add3A_8, %parallel_loop3A_248] : memref<128x32xf32, #tpu.memory_space<vmem>>[vector<16xi32>, vector<16xi32>], vector<16xf32>,
        %parallel_loop3A_259 = arith.constant 3 : i32
        %parallel_loop3A_260 = arith.shrsi %parallel_loop3A_247, %parallel_loop3A_259 : i32
        %parallel_loop3A_261 = arith.constant 7 : i32
        %parallel_loop3A_262 = arith.andi %parallel_loop3A_247, %parallel_loop3A_261 : i32
        %parallel_loop3A_263 = arith.index_cast %parallel_loop3A_260 : i32 to index
        %parallel_loop3A_264 = arith.index_cast %parallel_loop3A_262 : i32 to index
        %parallel_loop3A_265 = arith.constant 16 : index
        %parallel_loop3A_266 = tpu.vector_load %arg11[%parallel_loop3A_263, %parallel_loop3A_264, %parallel_loop3A_265] {strides = array<i32>} : memref<4x8x128xf32, #tpu.memory_space<vmem>>, vector<16xf32>,
        tpu.vector_store %arg11[%parallel_loop3A_263, %parallel_loop3A_264, %parallel_loop3A_265], %parallel_loop3A_258 {strides = array<i32>} : memref<4x8x128xf32, #tpu.memory_space<vmem>>, vector<16xf32>,
        %parallel_loop3A_267 = tpu.vector_load_idx %arg9[%add3A_11, %parallel_loop3A_248] : memref<128x32xf32, #tpu.memory_space<vmem>>[vector<16xi32>, vector<16xi32>], vector<16xf32>,
        %parallel_loop3A_268 = arith.constant 3 : i32
        %parallel_loop3A_269 = arith.shrsi %parallel_loop3A_247, %parallel_loop3A_268 : i32
        %parallel_loop3A_270 = arith.constant 7 : i32
        %parallel_loop3A_271 = arith.andi %parallel_loop3A_247, %parallel_loop3A_270 : i32
        %parallel_loop3A_272 = arith.index_cast %parallel_loop3A_269 : i32 to index
        %parallel_loop3A_273 = arith.index_cast %parallel_loop3A_271 : i32 to index
        %parallel_loop3A_274 = arith.constant 32 : index
        %parallel_loop3A_275 = tpu.vector_load %arg11[%parallel_loop3A_272, %parallel_loop3A_273, %parallel_loop3A_274] {strides = array<i32>} : memref<4x8x128xf32, #tpu.memory_space<vmem>>, vector<16xf32>,
        tpu.vector_store %arg11[%parallel_loop3A_272, %parallel_loop3A_273, %parallel_loop3A_274], %parallel_loop3A_267 {strides = array<i32>} : memref<4x8x128xf32, #tpu.memory_space<vmem>>, vector<16xf32>,
        %parallel_loop3A_276 = tpu.vector_load_idx %arg9[%add3A_14, %parallel_loop3A_248] : memref<128x32xf32, #tpu.memory_space<vmem>>[vector<16xi32>, vector<16xi32>], vector<16xf32>,
        %parallel_loop3A_277 = arith.constant 3 : i32
        %parallel_loop3A_278 = arith.shrsi %parallel_loop3A_247, %parallel_loop3A_277 : i32
        %parallel_loop3A_279 = arith.constant 7 : i32
        %parallel_loop3A_280 = arith.andi %parallel_loop3A_247, %parallel_loop3A_279 : i32
        %parallel_loop3A_281 = arith.index_cast %parallel_loop3A_278 : i32 to index
        %parallel_loop3A_282 = arith.index_cast %parallel_loop3A_280 : i32 to index
        %parallel_loop3A_283 = arith.constant 48 : index
        %parallel_loop3A_284 = tpu.vector_load %arg11[%parallel_loop3A_281, %parallel_loop3A_282, %parallel_loop3A_283] {strides = array<i32>} : memref<4x8x128xf32, #tpu.memory_space<vmem>>, vector<16xf32>,
        tpu.vector_store %arg11[%parallel_loop3A_281, %parallel_loop3A_282, %parallel_loop3A_283], %parallel_loop3A_276 {strides = array<i32>} : memref<4x8x128xf32, #tpu.memory_space<vmem>>, vector<16xf32>,
        %parallel_loop3A_285 = tpu.vector_load_idx %arg9[%add3A_17, %parallel_loop3A_248] : memref<128x32xf32, #tpu.memory_space<vmem>>[vector<16xi32>, vector<16xi32>], vector<16xf32>,
        %parallel_loop3A_286 = arith.constant 3 : i32
        %parallel_loop3A_287 = arith.shrsi %parallel_loop3A_247, %parallel_loop3A_286 : i32
        %parallel_loop3A_288 = arith.constant 7 : i32
        %parallel_loop3A_289 = arith.andi %parallel_loop3A_247, %parallel_loop3A_288 : i32
        %parallel_loop3A_290 = arith.index_cast %parallel_loop3A_287 : i32 to index
        %parallel_loop3A_291 = arith.index_cast %parallel_loop3A_289 : i32 to index
        %parallel_loop3A_292 = arith.constant 64 : index
        %parallel_loop3A_293 = tpu.vector_load %arg11[%parallel_loop3A_290, %parallel_loop3A_291, %parallel_loop3A_292] {strides = array<i32>} : memref<4x8x128xf32, #tpu.memory_space<vmem>>, vector<16xf32>,
        tpu.vector_store %arg11[%parallel_loop3A_290, %parallel_loop3A_291, %parallel_loop3A_292], %parallel_loop3A_285 {strides = array<i32>} : memref<4x8x128xf32, #tpu.memory_space<vmem>>, vector<16xf32>,
        %parallel_loop3A_294 = tpu.vector_load_idx %arg9[%add3A_20, %parallel_loop3A_248] : memref<128x32xf32, #tpu.memory_space<vmem>>[vector<16xi32>, vector<16xi32>], vector<16xf32>,
        %parallel_loop3A_295 = arith.constant 3 : i32
        %parallel_loop3A_296 = arith.shrsi %parallel_loop3A_247, %parallel_loop3A_295 : i32
        %parallel_loop3A_297 = arith.constant 7 : i32
        %parallel_loop3A_298 = arith.andi %parallel_loop3A_247, %parallel_loop3A_297 : i32
        %parallel_loop3A_299 = arith.index_cast %parallel_loop3A_296 : i32 to index
        %parallel_loop3A_300 = arith.index_cast %parallel_loop3A_298 : i32 to index
        %parallel_loop3A_301 = arith.constant 80 : index
        %parallel_loop3A_302 = tpu.vector_load %arg11[%parallel_loop3A_299, %parallel_loop3A_300, %parallel_loop3A_301] {strides = array<i32>} : memref<4x8x128xf32, #tpu.memory_space<vmem>>, vector<16xf32>,
        tpu.vector_store %arg11[%parallel_loop3A_299, %parallel_loop3A_300, %parallel_loop3A_301], %parallel_loop3A_294 {strides = array<i32>} : memref<4x8x128xf32, #tpu.memory_space<vmem>>, vector<16xf32>,
        %parallel_loop3A_303 = tpu.vector_load_idx %arg9[%add3A_23, %parallel_loop3A_248] : memref<128x32xf32, #tpu.memory_space<vmem>>[vector<16xi32>, vector<16xi32>], vector<16xf32>,
        %parallel_loop3A_304 = arith.constant 3 : i32
        %parallel_loop3A_305 = arith.shrsi %parallel_loop3A_247, %parallel_loop3A_304 : i32
        %parallel_loop3A_306 = arith.constant 7 : i32
        %parallel_loop3A_307 = arith.andi %parallel_loop3A_247, %parallel_loop3A_306 : i32
        %parallel_loop3A_308 = arith.index_cast %parallel_loop3A_305 : i32 to index
        %parallel_loop3A_309 = arith.index_cast %parallel_loop3A_307 : i32 to index
        %parallel_loop3A_310 = arith.constant 96 : index
        %parallel_loop3A_311 = tpu.vector_load %arg11[%parallel_loop3A_308, %parallel_loop3A_309, %parallel_loop3A_310] {strides = array<i32>} : memref<4x8x128xf32, #tpu.memory_space<vmem>>, vector<16xf32>,
        tpu.vector_store %arg11[%parallel_loop3A_308, %parallel_loop3A_309, %parallel_loop3A_310], %parallel_loop3A_303 {strides = array<i32>} : memref<4x8x128xf32, #tpu.memory_space<vmem>>, vector<16xf32>,
        %parallel_loop3A_312 = tpu.vector_load_idx %arg9[%add3A_26, %parallel_loop3A_248] : memref<128x32xf32, #tpu.memory_space<vmem>>[vector<16xi32>, vector<16xi32>], vector<16xf32>,
        %parallel_loop3A_313 = arith.constant 3 : i32
        %parallel_loop3A_314 = arith.shrsi %parallel_loop3A_247, %parallel_loop3A_313 : i32
        %parallel_loop3A_315 = arith.constant 7 : i32
        %parallel_loop3A_316 = arith.andi %parallel_loop3A_247, %parallel_loop3A_315 : i32
        %parallel_loop3A_317 = arith.index_cast %parallel_loop3A_314 : i32 to index
        %parallel_loop3A_318 = arith.index_cast %parallel_loop3A_316 : i32 to index
        %parallel_loop3A_319 = arith.constant 112 : index
        %parallel_loop3A_320 = tpu.vector_load %arg11[%parallel_loop3A_317, %parallel_loop3A_318, %parallel_loop3A_319] {strides = array<i32>} : memref<4x8x128xf32, #tpu.memory_space<vmem>>, vector<16xf32>,
        tpu.vector_store %arg11[%parallel_loop3A_317, %parallel_loop3A_318, %parallel_loop3A_319], %parallel_loop3A_312 {strides = array<i32>} : memref<4x8x128xf32, #tpu.memory_space<vmem>>, vector<16xf32>,
      } {sc.loop_unroll_factor = 4 : i64, sc.parallel_access}
      %ge3A_189 = arith.constant 2 : i32
      %ge3A_190 = arith.cmpi sge, %add3A_185, %ge3A_189 : i32
      %convert_element_type3A_191 = arith.extui %ge3A_190 : i1 to i32
      %cond3A_192 = arith.constant 0 : i32
      %cond3A_193 = arith.cmpi ne, %convert_element_type3A_191, %cond3A_192 : i32
      scf.if %cond3A_193 {
        %sub3A_247 = arith.constant 2 : i32
        %sub3A_248 = arith.subi %add3A_185, %sub3A_247 : i32
        %jit3A_249 = arith.constant 50 : i32
        %eq3A_250 = arith.constant 0 : i32
        %eq3A_251 = arith.cmpi eq, %jit3A_249, %eq3A_250 : i32
        %jit3A_252 = arith.constant 1 : i32
        %select_n3A_253 = arith.select %eq3A_251, %jit3A_252, %jit3A_249 : i32
        %rem3A_254 = arith.remsi %sub3A_248, %select_n3A_253 : i32
        %ne3A_255 = arith.constant 0 : i32
        %ne3A_256 = arith.cmpi ne, %rem3A_254, %ne3A_255 : i32
        %lt3A_257 = arith.constant 0 : i32
        %lt3A_258 = arith.cmpi slt, %rem3A_254, %lt3A_257 : i32
        %lt3A_259 = arith.constant 0 : i32
        %lt3A_260 = arith.cmpi slt, %select_n3A_253, %lt3A_259 : i32
        %ne3A_261 = arith.xori %lt3A_258, %lt3A_260 : i1
        %and3A_262 = arith.andi %ne3A_261, %ne3A_256 : i1
        %add3A_263 = arith.addi %rem3A_254, %select_n3A_253 : i32
        %select_n3A_264 = arith.select %and3A_262, %add3A_263, %rem3A_254 : i32
        %mul3A_265 = arith.constant 4 : i32
        %mul3A_266 = arith.muli %add3A, %mul3A_265 : i32
        %jit3A_267 = arith.constant 50 : i32
        %div3A_268 = arith.divsi %sub3A_248, %jit3A_267 : i32
        %sign3A_269 = arith.constant 0 : i32
        %sign3A_270 = arith.cmpi sgt, %sub3A_248, %sign3A_269 : i32
        %sign3A_271 = arith.extui %sign3A_270 : i1 to i32
        %sign3A_272 = arith.constant 0 : i32
        %sign3A_273 = arith.cmpi slt, %sub3A_248, %sign3A_272 : i32
        %sign3A_274 = arith.extui %sign3A_273 : i1 to i32
        %sign3A_275 = arith.subi %sign3A_271, %sign3A_274 : i32
        %sign3A_276 = arith.constant 0 : i32
        %sign3A_277 = arith.cmpi sgt, %jit3A_267, %sign3A_276 : i32
        %sign3A_278 = arith.extui %sign3A_277 : i1 to i32
        %sign3A_279 = arith.constant 0 : i32
        %sign3A_280 = arith.cmpi slt, %jit3A_267, %sign3A_279 : i32
        %sign3A_281 = arith.extui %sign3A_280 : i1 to i32
        %sign3A_282 = arith.subi %sign3A_278, %sign3A_281 : i32
        %ne3A_283 = arith.cmpi ne, %sign3A_275, %sign3A_282 : i32
        %rem3A_284 = arith.remsi %sub3A_248, %jit3A_267 : i32
        %ne3A_285 = arith.constant 0 : i32
        %ne3A_286 = arith.cmpi ne, %rem3A_284, %ne3A_285 : i32
        %and3A_287 = arith.andi %ne3A_283, %ne3A_286 : i1
        %sub3A_288 = arith.constant 1 : i32
        %sub3A_289 = arith.subi %div3A_268, %sub3A_288 : i32
        %select_n3A_290 = arith.select %and3A_287, %sub3A_289, %div3A_268 : i32
        %add3A_291 = arith.addi %mul3A_266, %select_n3A_290 : i32
        %dma_wait3A_292 = arith.constant 0 : i32
        %dma_wait3A_293 = arith.constant 0 : i32
        %dma_wait3A_294 = arith.constant 0 : i32
        %dma_wait3A_295 = tpu.memref_slice %arg4[%select_n3A_264, %dma_wait3A_292, %add3A_291, %dma_wait3A_293, %dma_wait3A_294] : memref<50x4x128x8x128xf32, #tpu.memory_space<hbm>> -> memref<1x4x1x8x128xf32, #tpu.memory_space<hbm>>
        %dma_wait3A_296 = tpu.memref_squeeze %dma_wait3A_295 : memref<1x4x1x8x128xf32, #tpu.memory_space<hbm>> -> memref<4x8x128xf32, #tpu.memory_space<hbm>>
        %dma_wait3A_297 = arith.constant 0 : i32
        %dma_wait3A_298 = arith.constant 0 : i32
        %dma_wait3A_299 = arith.constant 0 : i32
        %dma_wait3A_300 = tpu.memref_slice %arg4[%select_n3A_264, %dma_wait3A_297, %add3A_291, %dma_wait3A_298, %dma_wait3A_299] : memref<50x4x128x8x128xf32, #tpu.memory_space<hbm>> -> memref<1x4x1x8x128xf32, #tpu.memory_space<hbm>>
        %dma_wait3A_301 = tpu.memref_squeeze %dma_wait3A_300 : memref<1x4x1x8x128xf32, #tpu.memory_space<hbm>> -> memref<4x8x128xf32, #tpu.memory_space<hbm>>
        tpu.wait_dma2 semaphore(%arg15 : memref<!tpu.dma_semaphore, #tpu.memory_space<semaphore_mem>>) src(%arg11 : memref<4x8x128xf32, #tpu.memory_space<vmem>>) dst(%dma_wait3A_301 : memref<4x8x128xf32, #tpu.memory_space<hbm>>)
      } else {
      }
      %jit3A_194 = arith.constant 50 : i32
      %eq3A_195 = arith.constant 0 : i32
      %eq3A_196 = arith.cmpi eq, %jit3A_194, %eq3A_195 : i32
      %jit3A_197 = arith.constant 1 : i32
      %select_n3A_198 = arith.select %eq3A_196, %jit3A_197, %jit3A_194 : i32
      %rem3A_199 = arith.remsi %add3A_185, %select_n3A_198 : i32
      %ne3A_200 = arith.constant 0 : i32
      %ne3A_201 = arith.cmpi ne, %rem3A_199, %ne3A_200 : i32
      %lt3A_202 = arith.constant 0 : i32
      %lt3A_203 = arith.cmpi slt, %rem3A_199, %lt3A_202 : i32
      %lt3A_204 = arith.constant 0 : i32
      %lt3A_205 = arith.cmpi slt, %select_n3A_198, %lt3A_204 : i32
      %ne3A_206 = arith.xori %lt3A_203, %lt3A_205 : i1
      %and3A_207 = arith.andi %ne3A_206, %ne3A_201 : i1
      %add3A_208 = arith.addi %rem3A_199, %select_n3A_198 : i32
      %select_n3A_209 = arith.select %and3A_207, %add3A_208, %rem3A_199 : i32
      %mul3A_210 = arith.constant 4 : i32
      %mul3A_211 = arith.muli %add3A, %mul3A_210 : i32
      %jit3A_212 = arith.constant 50 : i32
      %div3A_213 = arith.divsi %add3A_185, %jit3A_212 : i32
      %sign3A_214 = arith.constant 0 : i32
      %sign3A_215 = arith.cmpi sgt, %add3A_185, %sign3A_214 : i32
      %sign3A_216 = arith.extui %sign3A_215 : i1 to i32
      %sign3A_217 = arith.constant 0 : i32
      %sign3A_218 = arith.cmpi slt, %add3A_185, %sign3A_217 : i32
      %sign3A_219 = arith.extui %sign3A_218 : i1 to i32
      %sign3A_220 = arith.subi %sign3A_216, %sign3A_219 : i32
      %sign3A_221 = arith.constant 0 : i32
      %sign3A_222 = arith.cmpi sgt, %jit3A_212, %sign3A_221 : i32
      %sign3A_223 = arith.extui %sign3A_222 : i1 to i32
      %sign3A_224 = arith.constant 0 : i32
      %sign3A_225 = arith.cmpi slt, %jit3A_212, %sign3A_224 : i32
      %sign3A_226 = arith.extui %sign3A_225 : i1 to i32
      %sign3A_227 = arith.subi %sign3A_223, %sign3A_226 : i32
      %ne3A_228 = arith.cmpi ne, %sign3A_220, %sign3A_227 : i32
      %rem3A_229 = arith.remsi %add3A_185, %jit3A_212 : i32
      %ne3A_230 = arith.constant 0 : i32
      %ne3A_231 = arith.cmpi ne, %rem3A_229, %ne3A_230 : i32
      %and3A_232 = arith.andi %ne3A_228, %ne3A_231 : i1
      %sub3A_233 = arith.constant 1 : i32
      %sub3A_234 = arith.subi %div3A_213, %sub3A_233 : i32
      %select_n3A_235 = arith.select %and3A_232, %sub3A_234, %div3A_213 : i32
      %add3A_236 = arith.addi %mul3A_211, %select_n3A_235 : i32
      %dma_start3A_237 = arith.constant 0 : i32
      %dma_start3A_238 = arith.constant 0 : i32
      %dma_start3A_239 = arith.constant 0 : i32
      %dma_start3A_240 = tpu.memref_slice %arg4[%select_n3A_209, %dma_start3A_237, %add3A_236, %dma_start3A_238, %dma_start3A_239] : memref<50x4x128x8x128xf32, #tpu.memory_space<hbm>> -> memref<1x4x1x8x128xf32, #tpu.memory_space<hbm>>
      %dma_start3A_241 = tpu.memref_squeeze %dma_start3A_240 : memref<1x4x1x8x128xf32, #tpu.memory_space<hbm>> -> memref<4x8x128xf32, #tpu.memory_space<hbm>>
      %dma_start3A_242 = arith.constant 0 : i32
      %dma_start3A_243 = arith.constant 0 : i32
      %dma_start3A_244 = arith.constant 0 : i32
      %dma_start3A_245 = tpu.memref_slice %arg4[%select_n3A_209, %dma_start3A_242, %add3A_236, %dma_start3A_243, %dma_start3A_244] : memref<50x4x128x8x128xf32, #tpu.memory_space<hbm>> -> memref<1x4x1x8x128xf32, #tpu.memory_space<hbm>>
      %dma_start3A_246 = tpu.memref_squeeze %dma_start3A_245 : memref<1x4x1x8x128xf32, #tpu.memory_space<hbm>> -> memref<4x8x128xf32, #tpu.memory_space<hbm>>
      tpu.enqueue_dma source(%arg11 : memref<4x8x128xf32, #tpu.memory_space<vmem>>) target(%dma_start3A_246 : memref<4x8x128xf32, #tpu.memory_space<hbm>>) target_semaphore(%arg15 : memref<!tpu.dma_semaphore, #tpu.memory_space<semaphore_mem>>)
    }
    %scan3A_37 = arith.constant 100 : i32
    %mul3A_38 = arith.constant 4 : i32
    %mul3A_39 = arith.muli %add3A, %mul3A_38 : i32
    %add3A_40 = arith.constant 3 : i32
    %add3A_41 = arith.addi %mul3A_39, %add3A_40 : i32
    %dma_wait3A = arith.constant 48 : i32
    %dma_wait3A_42 = arith.constant 0 : i32
    %dma_wait3A_43 = arith.constant 0 : i32
    %dma_wait3A_44 = arith.constant 0 : i32
    %dma_wait3A_45 = tpu.memref_slice %arg4[%dma_wait3A, %dma_wait3A_42, %add3A_41, %dma_wait3A_43, %dma_wait3A_44] : memref<50x4x128x8x128xf32, #tpu.memory_space<hbm>> -> memref<1x4x1x8x128xf32, #tpu.memory_space<hbm>>
    %dma_wait3A_46 = tpu.memref_squeeze %dma_wait3A_45 : memref<1x4x1x8x128xf32, #tpu.memory_space<hbm>> -> memref<4x8x128xf32, #tpu.memory_space<hbm>>
    %dma_wait3A_47 = arith.constant 0 : i32
    %dma_wait3A_48 = arith.constant 0 : i32
    %dma_wait3A_49 = arith.constant 0 : i32
    %dma_wait3A_50 = tpu.memref_slice %arg4[%dma_wait3A, %dma_wait3A_47, %add3A_41, %dma_wait3A_48, %dma_wait3A_49] : memref<50x4x128x8x128xf32, #tpu.memory_space<hbm>> -> memref<1x4x1x8x128xf32, #tpu.memory_space<hbm>>
    %dma_wait3A_51 = tpu.memref_squeeze %dma_wait3A_50 : memref<1x4x1x8x128xf32, #tpu.memory_space<hbm>> -> memref<4x8x128xf32, #tpu.memory_space<hbm>>
    tpu.wait_dma2 semaphore(%arg14 : memref<!tpu.dma_semaphore, #tpu.memory_space<semaphore_mem>>) src(%arg10 : memref<4x8x128xf32, #tpu.memory_space<vmem>>) dst(%dma_wait3A_51 : memref<4x8x128xf32, #tpu.memory_space<hbm>>)
    %mul3A_52 = arith.constant 4 : i32
    %mul3A_53 = arith.muli %add3A, %mul3A_52 : i32
    %add3A_54 = arith.constant 3 : i32
    %add3A_55 = arith.addi %mul3A_53, %add3A_54 : i32
    %dma_wait3A_56 = arith.constant 49 : i32
    %dma_wait3A_57 = arith.constant 0 : i32
    %dma_wait3A_58 = arith.constant 0 : i32
    %dma_wait3A_59 = arith.constant 0 : i32
    %dma_wait3A_60 = tpu.memref_slice %arg4[%dma_wait3A_56, %dma_wait3A_57, %add3A_55, %dma_wait3A_58, %dma_wait3A_59] : memref<50x4x128x8x128xf32, #tpu.memory_space<hbm>> -> memref<1x4x1x8x128xf32, #tpu.memory_space<hbm>>
    %dma_wait3A_61 = tpu.memref_squeeze %dma_wait3A_60 : memref<1x4x1x8x128xf32, #tpu.memory_space<hbm>> -> memref<4x8x128xf32, #tpu.memory_space<hbm>>
    %dma_wait3A_62 = arith.constant 0 : i32
    %dma_wait3A_63 = arith.constant 0 : i32
    %dma_wait3A_64 = arith.constant 0 : i32
    %dma_wait3A_65 = tpu.memref_slice %arg4[%dma_wait3A_56, %dma_wait3A_62, %add3A_55, %dma_wait3A_63, %dma_wait3A_64] : memref<50x4x128x8x128xf32, #tpu.memory_space<hbm>> -> memref<1x4x1x8x128xf32, #tpu.memory_space<hbm>>
    %dma_wait3A_66 = tpu.memref_squeeze %dma_wait3A_65 : memref<1x4x1x8x128xf32, #tpu.memory_space<hbm>> -> memref<4x8x128xf32, #tpu.memory_space<hbm>>
    tpu.wait_dma2 semaphore(%arg15 : memref<!tpu.dma_semaphore, #tpu.memory_space<semaphore_mem>>) src(%arg11 : memref<4x8x128xf32, #tpu.memory_space<vmem>>) dst(%dma_wait3A_66 : memref<4x8x128xf32, #tpu.memory_space<hbm>>)
    return
  }
}

</mosaic_0001>

<sc_bundles>
// kernel: kernel.3.cloned.1.call-start
scs
__scs_entry_jumppad:
0x0: {  	(pc) =	sbr.rel $0x88, $3  }
0x1: {  	(tag) =	ssettag $0x0;
	lr =	simm.s32 $0x1  }
0x2: {  	[smem:$0x3F9F] =	sst lr;
	_ =	strace $0xD0000000  }
0x3: {  	_ = 	snop  }
0x4: {  	_ = 	snop  }
0x5: {  	_ = 	snop  }
0x6: {  	_ = 	snop  }
0x7: {  	_ = 	snop  }
__scs_overlays_trampoline_lowered:
0x8: {  	[smem:$0x3FAE] =	sst s0  }
0x9: {  	[smem:$0x3FAF] =	sst s1  }
0xa: {  	[smem:$0x3FB0] =	sst s2  }
0xb: {  	[smem:$0x3FB1] =	sst s3  }
0xc: {  	[smem:$0x3FB2] =	sst s4  }
0xd: {  	[smem:$0x3FB3] =	sst s5  }
0xe: {  	[smem:$0x3FB4] =	sst s6  }
0xf: {  	[smem:$0x3FB5] =	sst s7  }
0x10: {  	[smem:$0x3FB6] =	sst s8  }
0x11: {  	[smem:$0x3FB7] =	sst s9;
	s0 =	simm.s32 @!p0 $0x0  }
0x12: {  	s1 =	sld [smem:$0x3F9D];
	s0 =	simm.s32 @p0 $0x1  }
0x13: {  	[smem:$0x3FB8] =	sst s0;
	s0 =	simm.s32 @!p1 $0x0  }
0x14: {  	s2 =	sld [smem:$0x3F9C];
	s0 =	simm.s32 @p1 $0x1  }
0x15: {  	[smem:$0x3FB9] =	sst s0;
	s0 =	simm.s32 @!p2 $0x0  }
0x16: {  	s3 =	sld [smem:$0x3FDB];
	s0 =	simm.s32 @p2 $0x1  }
0x17: {  	s4 =	simm.s32 $0x1BF5;
	[smem:$0x3FBB] =	sst s0  }
0x18: {  	s0 =	sld [smem:$0x3F9E];
	_ =	swait.ge [sflag:s4], $0x0  }
0x19: {  	s7 =	sld [smem:$0x3F9F]  }
0x1a: {  	s8 =	sadd.s32 $0xFFFFE003, lr  }
0x1b: {  	s9 =	sadd.s32 $0xFFFFFEF7, lr;
	s5 =	simm.s32 $0xFFFFFFFF;
	p2 =	slt.u32 s8, $0xFFFFF086  }
0x1c: {  	p1 =	slt.u32 s9, $0xF7A;
	s5 =	simm.s32 @!p2 $0x0  }
0x1d: {  	s5 =	simm.s32 @p1 $0x1;
	p0 =	seq.s32 s7, s2  }
0x1e: {  	s7 =	smul.u32 @!p0 $0xF7A, s2;
	p2 =	seq.s32 @!p0 s5, $0x0  }
0x1f: {  	s9 =	smul.u32 $0xF7A, s1;
	s8 =	simm.s32 @!p0 $0x1BF5;
	p2 =	por !p2, p0  }
0x20: {  	[sflag:s8] =	ssyncset.s32 @!p0 $0xFFFFF086;
	s6 =	sadd.s32 @!p0 s3, s7;
	s7 =	simm.s32 @!p0 $0x108  }
0x21: {  	s3 =	sadd.s32 s3, s9;
	s6 =	sadd.s32 @!p0 $0x88, s6;
	s7 =	simm.s32 @p2 $0x1082  }
0x22: {  	[simem:s7], [sflag:s8] =	dma.local @!p0 [hbm:s6], $0xF7A  }
0x23: {  	s9 =	sor.u32 $0xD0000000, s2;
	s6 =	simm.s32 $0x108;
	_ =	swait.ge @!p0 [sflag:s8], $0x0  }
0x24: {  	s3 =	sadd.s32 $0x88, s3;
	s6 =	simm.s32 @!p1 $0x1082;
	[sflag:s4] =	ssyncset.s32 $0xFFFFF086  }
0x25: {  	[simem:s6], [sflag:s4] =	dma.local [hbm:s3], $0xF7A  }
0x26: {  	[smem:$0x3F9F] =	sst s1;
	(tag) =	ssettag s2;
	_ =	strace s9  }
0x27: {  	s1 =	sld [smem:$0x3FAF]  }
0x28: {  	s2 =	sld [smem:$0x3FB0]  }
0x29: {  	s4 =	sld [smem:$0x3FB2]  }
0x2a: {  	p0 =	seq.s32 s5, $0x0;
	s5 =	sld [smem:$0x3FB3]  }
0x2b: {  	s6 =	sld [smem:$0x3FB4]  }
0x2c: {  	s7 =	sld [smem:$0x3FB5]  }
0x2d: {  	s3 =	simm.s32 $0x108;
	s8 =	sld [smem:$0x3FB6]  }
0x2e: {  	s3 =	simm.s32 @!p0 $0x1082;
	s9 =	sld [smem:$0x3FB7]  }
0x2f: {  	lr =	sadd.s32 s0, s3;
	s0 =	sld [smem:$0x3FAE]  }
0x30: {  	s3 =	sld [smem:$0x3FB1]  }
0x31: {  	[smem:$0x3FBA] =	sst s10  }
0x32: {  	s10 =	sld [smem:$0x3FB8];
	_ =	sdelay $0x3  }
0x33: {  	p0 =	seq.s32 s10, $0x1;
	s10 =	sld [smem:$0x3FBA];
	_ =	sdelay $0x3  }
0x34: {  	[smem:$0x3FBA] =	sst s10  }
0x35: {  	s10 =	sld [smem:$0x3FB9];
	_ =	sdelay $0x3  }
0x36: {  	p1 =	seq.s32 s10, $0x1;
	s10 =	sld [smem:$0x3FBA];
	_ =	sdelay $0x3  }
0x37: {  	[smem:$0x3FBA] =	sst s10  }
0x38: {  	s10 =	sld [smem:$0x3FBB]  }
0x39: {  	_ = 	snop;
	(pc) =	sbr.ind lr, $3  }
0x3a: {  	_ = 	snop  }
0x3b: {  	_ = 	snop  }
0x3c: {  	p2 =	seq.s32 s10, $0x1;
	s10 =	sld [smem:$0x3FBA]  }
0x3d: {  	_ =	shalt  }
0x3e: {  	_ =	shalt  }
0x3f: {  	_ =	shalt  }
0x40: {  	_ =	shalt  }
0x41: {  	_ =	shalt  }
0x42: {  	_ =	shalt  }
0x43: {  	_ =	shalt  }
0x44: {  	_ =	shalt  }
0x45: {  	_ =	shalt  }
0x46: {  	_ =	shalt  }
0x47: {  	_ =	shalt  }
0x48: {  	_ =	shalt  }
0x49: {  	_ =	shalt  }
0x4a: {  	_ =	shalt  }
0x4b: {  	_ =	shalt  }
0x4c: {  	_ =	shalt  }
0x4d: {  	_ =	shalt  }
0x4e: {  	_ =	shalt  }
0x4f: {  	_ =	shalt  }
0x50: {  	_ =	shalt  }
0x51: {  	_ =	shalt  }
0x52: {  	_ =	shalt  }
0x53: {  	_ =	shalt  }
0x54: {  	_ =	shalt  }
0x55: {  	_ =	shalt  }
0x56: {  	_ =	shalt  }
0x57: {  	_ =	shalt  }
0x58: {  	_ =	shalt  }
0x59: {  	_ =	shalt  }
0x5a: {  	_ =	shalt  }
0x5b: {  	_ =	shalt  }
0x5c: {  	_ =	shalt  }
0x5d: {  	_ =	shalt  }
0x5e: {  	_ =	shalt  }
0x5f: {  	_ =	shalt  }
0x60: {  	_ =	shalt  }
0x61: {  	_ =	shalt  }
0x62: {  	_ =	shalt  }
0x63: {  	_ =	shalt  }
0x64: {  	_ =	shalt  }
0x65: {  	_ =	shalt  }
0x66: {  	_ =	shalt  }
0x67: {  	_ =	shalt  }
0x68: {  	_ =	shalt  }
0x69: {  	_ =	shalt  }
0x6a: {  	_ =	shalt  }
0x6b: {  	_ =	shalt  }
0x6c: {  	_ =	shalt  }
0x6d: {  	_ =	shalt  }
0x6e: {  	_ =	shalt  }
0x6f: {  	_ =	shalt  }
0x70: {  	_ =	shalt  }
0x71: {  	_ =	shalt  }
0x72: {  	_ =	shalt  }
0x73: {  	_ =	shalt  }
0x74: {  	_ =	shalt  }
0x75: {  	_ =	shalt  }
0x76: {  	_ =	shalt  }
0x77: {  	_ =	shalt  }
0x78: {  	_ =	shalt  }
0x79: {  	_ =	shalt  }
0x7a: {  	_ =	shalt  }
0x7b: {  	_ =	shalt  }
0x7c: {  	_ =	shalt  }
0x7d: {  	_ =	shalt  }
0x7e: {  	_ =	shalt  }
0x7f: {  	_ =	shalt  }
0x80: {  	_ =	shalt  }
0x81: {  	_ =	shalt  }
0x82: {  	_ =	shalt  }
0x83: {  	_ =	shalt  }
0x84: {  	_ =	shalt  }
0x85: {  	_ =	shalt  }
0x86: {  	_ =	shalt  }
0x87: {  	_ =	shalt  }
.Lfunc_end0:
.L_simem_size_0:
called_computation_lowered:
.L_overlay_start_0:
0x88: {  	s2 =	sld [smem:$0x3FD9]  }
0x89: {  	s3 =	sld [smem:$0x3FFE];
	_ =	sdelay $0x1  }
0x8a: {  	s1 =	srdreg.scid  }
0x8b: {  	s0 =	sand.u32 $0x1, s1  }
0x8c: {  	s17 =	sshll.u32 s0, $0xA;
	s2 =	sadd.s32 s3, s2  }
0x8d: {  	s2 =	sadd.s32 s2, s17  }
0x8e: {  	[smem:$0x3FC6] =	sst s2  }
0x8f: {  	_ = 	snop  }
0x90: {  	s2 =	sld [smem:$0x3FD0];
	(tm) =	ssettm $0x1  }
0x91: {  	s18 =	sld [smem:$0x3FFB];
	_ =	sdelay $0x3  }
0x92: {  	_ =	strace s18  }
0x93: {  	s3 =	sld [smem:$0x3FFC];
	_ =	sdelay $0x3  }
0x94: {  	_ =	strace s3  }
0x95: {  	s3 =	sld [smem:$0x3FFD];
	_ =	sdelay $0x3  }
0x96: {  	_ =	strace s3  }
0x97: {  	_ =	strace $0x8FFFFFFF  }
0x98: {  	s19 =	sld [smem:$0x3FDB];
	_ =	sdelay $0x1  }
0x99: {  	s4 =	simm.s32 $_scs_section_size  }
0x9a: {  	s5 =	simm.s32 $_size__tile_overlayer_lowered;
	s6 =	simm.s32 $_tile_overlayer_lowered  }
0x9b: {  	s22 =	simm.s32 $0x1BFF;
	s21 =	sshll.u32 s6, $0x1;
	s3 =	sadd.s32 s4, s19  }
0x9c: {  	s7 =	simm.s32 $0x0;
	s20 =	sshll.u32 s5, $0x1;
	s5 =	sadd.s32 s21, s3  }
0x9d: {  	[timem:s7], [sflag:s22] =	dma.local [hbm:s5], s20  }
0x9e: {  	_ =	swait.ge [sflag:s22], s20  }
0x9f: {  	s4 =	ssub.s32 $0x0, s20;
	[sflag:s22] =	ssyncset.done $0x0  }
0xa0: {  	[sflag:s22] =	ssyncadd.s32 s4;
	_ =	sdelay $0x1  }
0xa1: {  	s23 =	simm.s32 $0x1B8B  }
0xa2: {  	_ =	swait.ge [sflag:s23], $0x1  }
0xa3: {  	[sflag:s23] =	ssyncset.done $0x0  }
0xa4: {  	s25 =	simm.s32 $0x1B8E;
	s24 =	sld [smem:$0x3FFE];
	[sflag:s23] =	ssyncadd.s32 $0xFFFFFFFF  }
0xa5: {  	s26 =	simm.s32 $execute0_lowered;
	[smem:$0x3FD2] =	sst s25  }
0xa6: {  	s5 =	sshll.u32 s26, $0x1;
	_ =	strace $0x80000046;
	[dreg:$0x1] =	wrdreg $0xFFFFFFFF  }
0xa7: {  	s28 =	simm.s32 $_size_execute0_lowered;
	s3 =	sadd.s32 s3, s5;
	[dreg:$0x0] =	wrdreg $0x0  }
0xa8: {  	s5 =	sshll.u32 s28, $0x1;
	[dreg:$0x2] =	wrdreg s3  }
0xa9: {  	[dreg:$0x3] =	wrdreg s5  }
0xaa: {  	[dreg:$0x4] =	wrdreg $0xC0  }
0xab: {  	_ =	task [dreg:s7], $0x5FFFF  }
0xac: {  	[dreg:$0x1] =	wrdreg $0xFFFFFFFF  }
0xad: {  	[dreg:$0x0] =	wrdreg $0x60  }
0xae: {  	[dreg:$0x2] =	wrdreg s24  }
0xaf: {  	[dreg:$0x3] =	wrdreg s2  }
0xb0: {  	[dreg:$0x4] =	wrdreg $0x9  }
0xb1: {  	_ =	task.clear_ibuf [dreg:s7], $0x5FFFF;
	_ =	strace $0x90000046  }
0xb2: {  	s29 =	simm.s32 $0x9;
	_ =	strace $0x80000048  }
0xb3: {  	_ =	swait.ge [sflag:s29], $0x1  }
0xb4: {  	[sflag:s29] =	ssyncadd.s32 $0xFFFFFFFF  }
0xb5: {  	_ =	strace $0x90000048  }
0xb6: {  	_ =	sfence  }
0xb7: {  	s30 =	sld [smem:$0x0];
	_ =	sdelay $0x2  }
0xb8: {  	s31 =	sshll.u32 s1, $0xD;
	s1 =	sshrl.u32 s1, $0x2  }
0xb9: {  	s3 =	sand.u32 $0x4000, s31;
	s1 =	sadd.s32 s1, s30  }
0xba: {  	s0 =	sor.u32 s3, s0;
	s1 =	sshll.u32 s1, $0x11  }
0xbb: {  	s0 =	sor.u32 s1, s0  }
0xbc: {  	s0 =	sadd.s32 $0x8F2B, s0  }
0xbd: {  	[sflag:s0] =	ssyncadd.remote.s32 $0x1  }
0xbe: {  	_ =	sfence.sel $0xFFFF  }
0xbf: {  	[dreg:$0x0] =	wrdreg $0xFFFFFFFF;
	(pc) =	sbr.abs _section_cstart, $3  }
0xc0: {  	[dreg:$0x1] =	wrdreg $0xFFFFFFFF  }
0xc1: {  	_ =	task.clear_ibuf [dreg:s7], $0x2FFFF;
	_ =	strace $0x9FFFFFFF  }
0xc2: {  	(tm) =	ssettm $0x7FFFFFFF  }
0xc3: {  	_ =	shalt  }
tec
execute0_lowered:
.L_overlay_start_1:
0x0: {  	(tag) =	ssettag $0x1  }
0x1: {  	s0 =	rddreg [dreg:$0x0];
	s1 =	srdreg.scid  }
0x2: {  	s3 =	stileid.u32;
	s2 =	rddreg [dreg:$0x1]  }
0x3: {  	s4 =	simm.s32 $0x0;
	s9 =	simm.s32 $0x80;
	s11 =	simm.s32 $0x6500  }
0x4: {  	v3 =	vlaneseq.u32;
	s13 =	simm.s32 $0x7500;
	s14 =	simm.s32 $0x1;
	s15 =	simm.s32 $0x400  }
0x5: {  	s16 =	simm.s32 $0x20000;
	s1 =	sand.u32 $0x1, s1;
	s3 =	sshll.u32 s3, $0x1;
	v0 =	vmul.u32 $0x32, v3  }
0x6: {  	s17 =	simm.s32 $0x8500;
	s3 =	sor.u32 s1, s3;
	s1 =	ssub.s32 $0x2, s1  }
0x7: {  	s18 =	simm.s32 $0x2;
	v3 =	vmul.u32 $0x20, v3;
	s5 =	smul.u32 $0xC80, s3;
	s6 =	sshrl.u32 s1, $0x1;
	v1 =	vadd.s32 $0x320, v0;
	v2 =	vadd.s32 $0x640, v0  }
0x8: {  	s19 =	simm.s32 $0x9500;
	[smem:$0x7FF] =	sst s4;
	v4 =	vadd.s32 $0x960, v0;
	v5 =	vadd.s32 $0xC80, v0;
	v6 =	vadd.s32 $0xFA0, v0;
	s1 =	ssub.s32 s1, s6  }
0x9: {  	s4 =	sadd.s32 $0xF42A00, s0;
	v7 =	vadd.s32 $0x12C0, v0;
	v8 =	vadd.s32 $0x15E0, v0;
	v9 =	vor.u32 $0x200, v3;
	s0 =	sadd.s32 s5, s0;
	s31 =	smax.u32 s1, $0x1  }
0xa: {  	_ =	strace $0x80000047;
	v10 =	vor.u32 $0x400, v3;
	v11 =	vor.u32 $0x600, v3;
	v12 =	vor.u32 $0x800, v3;
	s0 =	sadd.s32 $0x600, s0;
	[dreg:$0x4] =	wrdreg s31  }
0xb: {  	v13 =	vor.u32 $0xA00, v3;
	v14 =	vor.u32 $0xC00, v3;
	v15 =	vor.u32 $0xE00, v3;
	s6 =	sshll.u32 s3, $0x9;
	s3 =	simm.s32 $0x0;
	[dreg:$0x3] =	wrdreg s0  }
.LBB2_1:
0xc: {  	[dreg:$0x5] =	wrdreg s3  }
0xd: {  	s0 =	simm.s32 $0x0;
	s1 =	rddreg [dreg:$0x3];
	s30 =	simm.s32 $0x5  }
0xe: {  	[tilespmem:s0], [sflag:$0x5] =	stream.linear.gather [hbm4b:s1+s0], $0x6400, $0x38;
	[tilespmem:$0xA500] =	vst v63  }
0xf: {  	_ =	swait.ge [sflag:s30], $0x6400  }
0x10: {  	[sflag:s30] =	ssyncset.done $0x0  }
0x11: {  	[sflag:s30] =	ssyncadd.s32 $0xFFFF9C00  }
0x12: {  	v16 =	vld.idx.msk [tilespmem:v0+s0+$0x0], $0xffff  }
0x13: {  	v17 =	vld.idx.msk [tilespmem:v1+s0+$0x0], $0xffff  }
0x14: {  	v18 =	vld.idx.msk [tilespmem:v2+s0+$0x0], $0xffff  }
0x15: {  	v19 =	vld.idx.msk [tilespmem:v4+s0+$0x0], $0xffff  }
0x16: {  	v20 =	vld.idx.msk [tilespmem:v5+s0+$0x0], $0xffff  }
0x17: {  	v63 =	vld.idx.msk [tilespmem:v8+s0+$0x0], $0xffff;
	[tilespmem:$0x6400] =	vst v16  }
0x18: {  	v16 =	vld.idx.msk [tilespmem:v6+s0+$0x0], $0xffff;
	[tilespmem:$0x6410] =	vst v17  }
0x19: {  	v17 =	vld.idx.msk [tilespmem:v7+s0+$0x0], $0xffff;
	[tilespmem:$0x6420] =	vst v18  }
0x1a: {  	[tilespmem:$0x6430] =	vst v19  }
0x1b: {  	[tilespmem:$0x6440] =	vst v20  }
0x1c: {  	[tilespmem:$0x6470] =	vst v63  }
0x1d: {  	[tilespmem:$0x6450] =	vst v16  }
0x1e: {  	s31 =	simm.s32 $0x6400;
	s23 =	simm.s32 $0x0;
	[tilespmem:$0x6460] =	vst v17  }
0x1f: {  	[tilespmem:s11], [sflag:$0x1] =	stream.indirect.gather [hbm4b:s4+s9], $0x20, s31, s9, $0xb8;
	[tilespmem:$0xA500] =	vst v63  }
.LBB2_2:
0x20: {  	s0 =	sshllo.u32 s23, $0x1  }
0x21: {  	s1 =	sand.u32 $0xFF, s0  }
0x22: {  	s1 =	smul.u32 $0x29, s1  }
0x23: {  	s3 =	smul.u32 $0x29, s23  }
0x24: {  	s1 =	sshrl.u32 s1, $0xB  }
0x25: {  	s3 =	sshrl.u32 s3, $0xA;
	s1 =	smul.u32 $0x32, s1  }
0x26: {  	s25 =	sand.u32 $0x3F, s3  }
0x27: {  	s8 =	smul.u32 $0x1900, s25;
	s0 =	ssub.s32 s0, s1  }
0x28: {  	s24 =	sand.u32 $0xFF, s0  }
0x29: {  	s0 =	sor.u32 s24, s8  }
0x2a: {  	v16 =	vadd.s32 s0, v0;
	s1 =	sadd.s32 $0x320, s0  }
0x2b: {  	s10 =	sadd.s32 $0x640, s0;
	v17 =	vadd.s32 s1, v0  }
0x2c: {  	s12 =	sadd.s32 $0x960, s0;
	v18 =	vadd.s32 s10, v0  }
0x2d: {  	s20 =	sadd.s32 $0xC80, s0;
	v19 =	vadd.s32 s12, v0  }
0x2e: {  	s21 =	simm.s32 $0x0;
	s22 =	sadd.s32 $0xFA0, s0;
	v20 =	vadd.s32 s20, v0  }
0x2f: {  	s26 =	sadd.s32 $0x12C0, s0;
	v21 =	vadd.s32 s22, v0;
	v16 =	vld.idx.msk [tilespmem:v16+s21+$0x0], $0xffff  }
0x30: {  	s0 =	sadd.s32 $0x15E0, s0;
	v22 =	vadd.s32 s26, v0;
	v17 =	vld.idx.msk [tilespmem:v17+s21+$0x0], $0xffff  }
0x31: {  	v23 =	vadd.s32 s0, v0;
	v18 =	vld.idx.msk [tilespmem:v18+s21+$0x0], $0xffff  }
0x32: {  	v19 =	vld.idx.msk [tilespmem:v19+s21+$0x0], $0xffff  }
0x33: {  	v20 =	vld.idx.msk [tilespmem:v20+s21+$0x0], $0xffff  }
0x34: {  	[tilespmem:$0x6480] =	vst v16;
	v16 =	vld.idx.msk [tilespmem:v21+s21+$0x0], $0xffff  }
0x35: {  	[tilespmem:$0x6490] =	vst v17;
	v17 =	vld.idx.msk [tilespmem:v22+s21+$0x0], $0xffff  }
0x36: {  	[tilespmem:$0x64A0] =	vst v18;
	v18 =	vld.idx.msk [tilespmem:v23+s21+$0x0], $0xffff  }
0x37: {  	s5 =	simm.s32 $0x1;
	[tilespmem:$0x64B0] =	vst v19;
	v19 =	vmov s21  }
0x38: {  	[tilespmem:$0x64C0] =	vst v20;
	v20 =	vmov s5;
	v19 =	vand.u32 $0x1C, v19  }
0x39: {  	v23 =	vbroadcast v19, $0x0;
	[tilespmem:$0x64D0] =	vst v16;
	v16 =	vand.u32 $0x1D, v20  }
0x3a: {  	[tilespmem:$0x64E0] =	vst v17;
	v25 =	vbroadcast v16, $0x0  }
0x3b: {  	s7 =	simm.s32 $0x6480;
	[tilespmem:$0x64F0] =	vst v18;
	v16 =	vor.u32 v3, v23  }
0x3c: {  	[tilespmem:s13], [sflag:$0x2] =	stream.indirect.gather [hbm4b:s4+s9], $0x20, s7, s9, $0xb8;
	v17 =	vor.u32 v3, v25;
	[tilespmem:$0xA500] =	vst v63  }
0x3d: {  	_ =	swait.ge [sflag:s14], $0x1000  }
0x3e: {  	[sflag:s14] =	ssyncset.done $0x0  }
0x3f: {  	[sflag:s14] =	ssyncadd.s32 $0xFFFFF000  }
0x40: {  	v16 =	vld.idx.msk [tilespmem:v16+s11+$0x0], $0xffff  }
0x41: {  	s8 =	simm.s32 $0x2;
	v18 =	vor.u32 v9, v23;
	v17 =	vld.idx.msk [tilespmem:v17+s11+$0x0], $0xffff  }
0x42: {  	s10 =	simm.s32 $0x0;
	v19 =	vmov s8;
	v20 =	vor.u32 v9, v25  }
0x43: {  	s12 =	simm.s32 $0x80;
	s0 =	sand.u32 $0xC00, s10;
	v19 =	vand.u32 $0x1E, v19  }
0x44: {  	s28 =	simm.s32 $0x8540;
	s1 =	sand.u32 $0x280, s12;
	s0 =	sadd.s32 $0x8500, s0;
	v24 =	vbroadcast v19, $0x0  }
0x45: {  	s20 =	simm.s32 $0x3;
	s7 =	sor.u32 s1, s0;
	[tilespmem:s28+$0xFFFFFFC0] =	vst v16  }
0x46: {  	v16 =	vor.u32 v3, v24;
	[tilespmem:s7+$0x0] =	vst v17;
	v17 =	vld.idx.msk [tilespmem:v18+s11+$0x0], $0xffff;
	v18 =	vmov s20  }
0x47: {  	v19 =	vld.idx.msk [tilespmem:v20+s11+$0x0], $0xffff;
	v20 =	vor.u32 v10, v23;
	v18 =	vand.u32 $0x1F, v18  }
0x48: {  	v21 =	vor.u32 v10, v25;
	v26 =	vbroadcast v18, $0x0;
	_ =	sdelay $0x1  }
0x49: {  	s21 =	simm.s32 $0x4;
	v22 =	vor.u32 v3, v26  }
0x4a: {  	v27 =	vld.idx.msk [tilespmem:v16+s11+$0x0], $0xffff;
	v16 =	vmov s21;
	[tilespmem:s28+$0xFFFFFFD0] =	vst v17  }
0x4b: {  	s22 =	simm.s32 $0x5;
	v28 =	vor.u32 v9, v24;
	v16 =	vand.u32 $0x1C, v16;
	[tilespmem:s7+$0x10] =	vst v19;
	v19 =	vld.idx.msk [tilespmem:v20+s11+$0x0], $0xffff  }
0x4c: {  	s26 =	simm.s32 $0x100;
	s5 =	simm.s32 $0x6;
	v17 =	vmov s22;
	v16 =	vbroadcast v16, $0x0;
	v20 =	vld.idx.msk [tilespmem:v21+s11+$0x0], $0xffff;
	v21 =	vor.u32 v11, v23  }
0x4d: {  	s3 =	sand.u32 $0x300, s26;
	v30 =	vmov s5;
	v29 =	vor.u32 v11, v25;
	v17 =	vand.u32 $0x1D, v17  }
0x4e: {  	s1 =	sadd.s32 s3, s0;
	v18 =	vbroadcast v17, $0x0;
	v17 =	vand.u32 $0x1E, v30;
	v30 =	vor.u32 v3, v16;
	v22 =	vld.idx.msk [tilespmem:v22+s11+$0x0], $0xffff  }
0x4f: {  	[tilespmem:s1+$0x0] =	vst v27;
	v17 =	vbroadcast v17, $0x0;
	v27 =	vor.u32 v9, v26  }
0x50: {  	s8 =	simm.s32 $0x180;
	v28 =	vld.idx.msk [tilespmem:v28+s11+$0x0], $0xffff;
	v31 =	vor.u32 v3, v18;
	[tilespmem:s28+$0xFFFFFFE0] =	vst v19  }
0x51: {  	s3 =	sand.u32 $0x380, s8;
	v19 =	vor.u32 v3, v17;
	[tilespmem:s7+$0x20] =	vst v20;
	v20 =	vld.idx.msk [tilespmem:v21+s11+$0x0], $0xffff  }
0x52: {  	s31 =	sadd.s32 s3, s0;
	v21 =	vld.idx.msk [tilespmem:v29+s11+$0x0], $0xffff;
	v29 =	vor.u32 v12, v23  }
0x53: {  	v32 =	vor.u32 v12, v25;
	v30 =	vld.idx.msk [tilespmem:v30+s11+$0x0], $0xffff;
	[tilespmem:s31+$0x0] =	vst v22  }
0x54: {  	v22 =	vor.u32 v10, v24;
	v27 =	vld.idx.msk [tilespmem:v27+s11+$0x0], $0xffff  }
0x55: {  	v33 =	vor.u32 v10, v26;
	v31 =	vld.idx.msk [tilespmem:v31+s11+$0x0], $0xffff;
	[tilespmem:s1+$0x10] =	vst v28  }
0x56: {  	s10 =	simm.s32 $0x200;
	v34 =	vor.u32 v9, v16;
	v19 =	vld.idx.msk [tilespmem:v19+s11+$0x0], $0xffff;
	[tilespmem:s28+$0xFFFFFFF0] =	vst v20  }
0x57: {  	s12 =	simm.s32 $0x280;
	s26 =	simm.s32 $0x8740;
	s0 =	sand.u32 $0xC00, s10;
	v20 =	vor.u32 v9, v18;
	[tilespmem:s7+$0x30] =	vst v21;
	v21 =	vld.idx.msk [tilespmem:v29+s11+$0x0], $0xffff  }
0x58: {  	s5 =	simm.s32 $0x300;
	s3 =	sand.u32 $0x280, s12;
	s0 =	sadd.s32 $0x8500, s0;
	v41 =	vor.u32 v9, v17;
	[tilespmem:s26+$0xFFFFFFC0] =	vst v30;
	v28 =	vld.idx.msk [tilespmem:v32+s11+$0x0], $0xffff  }
0x59: {  	s30 =	sor.u32 s3, s0;
	s20 =	sand.u32 $0x300, s5;
	v29 =	vor.u32 v13, v23;
	v22 =	vld.idx.msk [tilespmem:v22+s11+$0x0], $0xffff;
	[tilespmem:s31+$0x10] =	vst v27  }
0x5a: {  	s29 =	sadd.s32 s20, s0;
	s21 =	simm.s32 $0x7;
	[tilespmem:s30+$0x0] =	vst v31;
	v27 =	vor.u32 v11, v24;
	v30 =	vld.idx.msk [tilespmem:v33+s11+$0x0], $0xffff  }
0x5b: {  	v42 =	vor.u32 v11, v26;
	v43 =	vmov s21;
	v31 =	vld.idx.msk [tilespmem:v34+s11+$0x0], $0xffff;
	[tilespmem:s29+$0x0] =	vst v19  }
0x5c: {  	v19 =	vand.u32 $0x1F, v43;
	v20 =	vld.idx.msk [tilespmem:v20+s11+$0x0], $0xffff;
	[tilespmem:s28+$0x0] =	vst v21;
	v21 =	vor.u32 v13, v25  }
0x5d: {  	v35 =	vor.u32 v10, v18;
	v32 =	vld.idx.msk [tilespmem:v41+s11+$0x0], $0xffff;
	v19 =	vbroadcast v19, $0x0  }
0x5e: {  	v29 =	vld.idx.msk [tilespmem:v29+s11+$0x0], $0xffff;
	[tilespmem:s1+$0x20] =	vst v22;
	v22 =	vor.u32 v10, v16  }
0x5f: {  	v44 =	vor.u32 v3, v19;
	v27 =	vld.idx.msk [tilespmem:v27+s11+$0x0], $0xffff;
	[tilespmem:s31+$0x20] =	vst v30  }
0x60: {  	[tilespmem:s7+$0x40] =	vst v28;
	v30 =	vor.u32 v14, v23;
	v28 =	vld.idx.msk [tilespmem:v42+s11+$0x0], $0xffff  }
0x61: {  	v36 =	vor.u32 v12, v24;
	s22 =	simm.s32 $0x8;
	[tilespmem:s30+$0x10] =	vst v20;
	v45 =	vld.idx.msk [tilespmem:v21+s11+$0x0], $0xffff  }
0x62: {  	v37 =	vor.u32 v12, v26;
	[tilespmem:s26+$0xFFFFFFD0] =	vst v31;
	v20 =	vmov s22;
	v31 =	vld.idx.msk [tilespmem:v35+s11+$0x0], $0xffff  }
0x63: {  	s5 =	simm.s32 $0x9;
	v46 =	vor.u32 v11, v18;
	v20 =	vand.u32 $0x1C, v20;
	[tilespmem:s28+$0x10] =	vst v29;
	v29 =	vld.idx.msk [tilespmem:v22+s11+$0x0], $0xffff  }
0x64: {  	s8 =	simm.s32 $0xA;
	v38 =	vor.u32 v14, v25;
	v21 =	vmov s5;
	v20 =	vbroadcast v20, $0x0;
	v33 =	vld.idx.msk [tilespmem:v44+s11+$0x0], $0xffff  }
0x65: {  	v21 =	vand.u32 $0x1D, v21;
	v22 =	vmov s8;
	[tilespmem:s1+$0x30] =	vst v27;
	v27 =	vor.u32 v11, v16;
	v30 =	vld.idx.msk [tilespmem:v30+s11+$0x0], $0xffff  }
0x66: {  	v47 =	vor.u32 v9, v19;
	v21 =	vbroadcast v21, $0x0;
	v22 =	vand.u32 $0x1E, v22;
	v36 =	vld.idx.msk [tilespmem:v36+s11+$0x0], $0xffff;
	[tilespmem:s31+$0x30] =	vst v28  }
0x67: {  	s10 =	simm.s32 $0x380;
	v22 =	vbroadcast v22, $0x0;
	v28 =	vor.u32 v3, v20;
	[tilespmem:s30+$0x20] =	vst v31;
	v31 =	vld.idx.msk [tilespmem:v37+s11+$0x0], $0xffff  }
0x68: {  	s3 =	sand.u32 $0x380, s10;
	v39 =	vor.u32 v3, v21;
	[tilespmem:s7+$0x50] =	vst v45;
	v35 =	vld.idx.msk [tilespmem:v46+s11+$0x0], $0xffff  }
0x69: {  	s0 =	sadd.s32 s3, s0;
	v48 =	vor.u32 v3, v22;
	[tilespmem:s26+$0xFFFFFFE0] =	vst v29;
	v29 =	vld.idx.msk [tilespmem:v38+s11+$0x0], $0xffff  }
0x6a: {  	v52 =	vor.u32 v13, v26;
	[tilespmem:s0+$0x0] =	vst v33;
	v27 =	vld.idx.msk [tilespmem:v27+s11+$0x0], $0xffff  }
0x6b: {  	v49 =	vor.u32 v12, v18;
	[tilespmem:s29+$0x10] =	vst v32;
	v37 =	vld.idx.msk [tilespmem:v47+s11+$0x0], $0xffff  }
0x6c: {  	v25 =	vor.u32 v15, v25;
	[tilespmem:s1+$0x40] =	vst v36;
	v28 =	vld.idx.msk [tilespmem:v28+s11+$0x0], $0xffff  }
0x6d: {  	v53 =	vor.u32 v12, v16;
	[tilespmem:s28+$0x20] =	vst v30;
	v50 =	vld.idx.msk [tilespmem:v39+s11+$0x0], $0xffff  }
0x6e: {  	v55 =	vor.u32 v10, v19;
	[tilespmem:s31+$0x40] =	vst v31;
	v31 =	vld.idx.msk [tilespmem:v48+s11+$0x0], $0xffff  }
0x6f: {  	v51 =	vor.u32 v13, v24;
	[tilespmem:s30+$0x30] =	vst v35;
	v56 =	vld.idx.msk [tilespmem:v52+s11+$0x0], $0xffff  }
0x70: {  	s12 =	simm.s32 $0x400;
	v54 =	vor.u32 v9, v20;
	[tilespmem:s7+$0x60] =	vst v29;
	v32 =	vld.idx.msk [tilespmem:v49+s11+$0x0], $0xffff  }
0x71: {  	s10 =	simm.s32 $0x8940;
	s3 =	sand.u32 $0xC00, s12;
	s20 =	simm.s32 $0x480;
	v29 =	vor.u32 v10, v17;
	[tilespmem:s26+$0xFFFFFFF0] =	vst v27;
	v25 =	vld.idx.msk [tilespmem:v25+s11+$0x0], $0xffff  }
0x72: {  	s21 =	simm.s32 $0x500;
	s5 =	sand.u32 $0x280, s20;
	s20 =	sadd.s32 $0x8500, s3;
	v59 =	vor.u32 v9, v22;
	[tilespmem:s0+$0x10] =	vst v37;
	v34 =	vld.idx.msk [tilespmem:v53+s11+$0x0], $0xffff  }
0x73: {  	s3 =	sand.u32 $0x300, s21;
	s5 =	sor.u32 s5, s20;
	v27 =	vor.u32 v9, v21;
	v33 =	vld.idx.msk [tilespmem:v55+s11+$0x0], $0xffff;
	[tilespmem:s10+$0xFFFFFFC0] =	vst v28  }
0x74: {  	v23 =	vor.u32 v15, v23;
	s8 =	sadd.s32 s3, s20;
	v28 =	vld.idx.msk [tilespmem:v51+s11+$0x0], $0xffff;
	[tilespmem:s5+$0x0] =	vst v50  }
0x75: {  	v58 =	vor.u32 v13, v16;
	v57 =	vld.idx.msk [tilespmem:v54+s11+$0x0], $0xffff;
	[tilespmem:s8+$0x0] =	vst v31  }
0x76: {  	v30 =	vor.u32 v14, v24;
	v29 =	vld.idx.msk [tilespmem:v29+s11+$0x0], $0xffff;
	[tilespmem:s31+$0x50] =	vst v56  }
0x77: {  	v61 =	vor.u32 v11, v19;
	v63 =	vld.idx.msk [tilespmem:v59+s11+$0x0], $0xffff;
	[tilespmem:s30+$0x40] =	vst v32  }
0x78: {  	v40 =	vor.u32 v13, v18;
	v60 =	vld.idx.msk [tilespmem:v27+s11+$0x0], $0xffff;
	[tilespmem:s7+$0x70] =	vst v25  }
0x79: {  	v25 =	vor.u32 v11, v17;
	v27 =	vld.idx.msk [tilespmem:v23+s11+$0x0], $0xffff;
	[tilespmem:s26+$0x0] =	vst v34  }
0x7a: {  	[tilespmem:s1+$0x50] =	vst v28;
	v28 =	vor.u32 v14, v26;
	v31 =	vld.idx.msk [tilespmem:v58+s11+$0x0], $0xffff  }
0x7b: {  	s22 =	simm.s32 $0xB;
	v41 =	vor.u32 v10, v21;
	[tilespmem:s0+$0x20] =	vst v33;
	v30 =	vld.idx.msk [tilespmem:v30+s11+$0x0], $0xffff  }
0x7c: {  	v62 =	vor.u32 v15, v24;
	v23 =	vmov s22;
	v34 =	vld.idx.msk [tilespmem:v61+s11+$0x0], $0xffff;
	[tilespmem:s10+$0xFFFFFFD0] =	vst v57  }
0x7d: {  	v23 =	vand.u32 $0x1F, v23;
	[tilespmem:s29+$0x20] =	vst v29;
	v29 =	vld.idx.msk [tilespmem:v40+s11+$0x0], $0xffff  }
0x7e: {  	v24 =	vor.u32 v12, v19;
	v37 =	vor.u32 v10, v20;
	v23 =	vbroadcast v23, $0x0;
	[tilespmem:s5+$0x10] =	vst v60;
	v35 =	vld.idx.msk [tilespmem:v25+s11+$0x0], $0xffff  }
0x7f: {  	v36 =	vor.u32 v12, v17;
	v33 =	vld.idx.msk [tilespmem:v28+s11+$0x0], $0xffff;
	v28 =	vor.u32 v14, v16;
	[tilespmem:s26+$0x10] =	vst v31  }
0x80: {  	v38 =	vor.u32 v3, v23;
	v31 =	vld.idx.msk [tilespmem:v41+s11+$0x0], $0xffff;
	[tilespmem:s1+$0x60] =	vst v30;
	v30 =	vor.u32 v15, v26  }
0x81: {  	s21 =	simm.s32 $0x580;
	s3 =	simm.s32 $0xC;
	s7 =	sshll.u32 s23, $0x1;
	[tilespmem:s8+$0x10] =	vst v63;
	v25 =	vor.u32 v10, v22;
	v26 =	vor.u32 v12, v23;
	v32 =	vld.idx.msk [tilespmem:v62+s11+$0x0], $0xffff  }
.LBB2_3:
0x82: {  	s12 =	sadd.s32 $0x1, s3  }
0x83: {  	v39 =	vmov s3;
	p0 =	slt.u32 s3, $0x1C;
	v37 =	vld.idx.msk [tilespmem:v37+s11+$0x0], $0xffff;
	v40 =	vor.u32 v14, v18;
	[tilespmem:s29+$0x30] =	vst v35;
	s22 =	smov.u32 s3;
	s3 =	sadd.s32 $0x4, s3  }
0x84: {  	v41 =	vor.u32 v11, v21;
	v35 =	vand.u32 $0x1C, v39;
	v39 =	vmov s12;
	s12 =	sadd.s32 $0x2, s22;
	v28 =	vld.idx.msk [tilespmem:v28+s11+$0x0], $0xffff;
	[tilespmem:s31+$0x60] =	vst v33  }
0x85: {  	v33 =	vbroadcast v35, $0x0;
	v35 =	vand.u32 $0x1D, v39;
	v39 =	vmov s12;
	[tilespmem:s0+$0x30] =	vst v34;
	v30 =	vld.idx.msk [tilespmem:v30+s11+$0x0], $0xffff  }
0x86: {  	v34 =	vbroadcast v35, $0x0;
	v35 =	vand.u32 $0x1E, v39;
	v39 =	vor.u32 v11, v20;
	v38 =	vld.idx.msk [tilespmem:v38+s11+$0x0], $0xffff;
	[tilespmem:s1+$0x70] =	vst v32;
	s1 =	smov.u32 s29;
	s29 =	smov.u32 s8  }
0x87: {  	v32 =	vor.u32 v3, v33;
	v35 =	vbroadcast v35, $0x0;
	v36 =	vld.idx.msk [tilespmem:v36+s11+$0x0], $0xffff;
	[tilespmem:s28+$0x30] =	vst v27;
	s28 =	smov.u32 s26;
	s26 =	smov.u32 s10  }
0x88: {  	v27 =	vor.u32 v3, v34;
	[tilespmem:s5+$0x20] =	vst v31;
	v31 =	vld.idx.msk [tilespmem:v24+s11+$0x0], $0xffff;
	v24 =	vmov v26  }
0x89: {  	v42 =	vor.u32 v9, v23;
	v26 =	vor.u32 v3, v35;
	v41 =	vld.idx.msk [tilespmem:v41+s11+$0x0], $0xffff;
	[tilespmem:s30+$0x50] =	vst v29  }
0x8a: {  	s8 =	sand.u32 $0x380, s21;
	[tilespmem:s10+$0xFFFFFFE0] =	vst v37;
	v29 =	vld.idx.msk [tilespmem:v40+s11+$0x0], $0xffff  }
0x8b: {  	v37 =	vld.idx.msk [tilespmem:v39+s11+$0x0], $0xffff;
	v39 =	vor.u32 v12, v21;
	[tilespmem:s31+$0x70] =	vst v30;
	s31 =	smov.u32 s0;
	s0 =	sadd.s32 s8, s20  }
0x8c: {  	v30 =	vld.idx.msk [tilespmem:v32+s11+$0x0], $0xffff;
	[tilespmem:s0+$0x0] =	vst v38;
	v32 =	vor.u32 v15, v18;
	v18 =	vmov v21;
	v21 =	vmov v34  }
0x8d: {  	v34 =	vor.u32 v13, v17;
	v27 =	vld.idx.msk [tilespmem:v27+s11+$0x0], $0xffff;
	[tilespmem:s1+$0x40] =	vst v36;
	v36 =	vor.u32 v13, v19  }
0x8e: {  	s21 =	sadd.s32 $0x200, s21;
	v38 =	vor.u32 v9, v33;
	v40 =	vld.idx.msk [tilespmem:v42+s11+$0x0], $0xffff;
	[tilespmem:s31+$0x40] =	vst v31  }
0x8f: {  	s8 =	sadd.s32 $0xFFFFFE80, s21;
	v31 =	vor.u32 v9, v21;
	v42 =	vor.u32 v12, v20;
	v26 =	vld.idx.msk [tilespmem:v26+s11+$0x0], $0xffff;
	[tilespmem:s5+$0x30] =	vst v41  }
0x90: {  	s12 =	sadd.s32 $0xFFFFFF00, s21;
	s10 =	sadd.s32 $0x200, s10;
	s8 =	sand.u32 $0xC00, s8;
	v41 =	vor.u32 v9, v35;
	v39 =	vld.idx.msk [tilespmem:v39+s11+$0x0], $0xffff;
	[tilespmem:s30+$0x60] =	vst v29  }
0x91: {  	s12 =	sand.u32 $0x280, s12;
	s20 =	sadd.s32 $0x8500, s8;
	s8 =	sadd.s32 $0xFFFFFF80, s21;
	[tilespmem:s26+$0xFFFFFFF0] =	vst v37;
	v29 =	vld.idx.msk [tilespmem:v32+s11+$0x0], $0xffff  }
0x92: {  	s12 =	sor.u32 s12, s20;
	s8 =	sand.u32 $0x300, s8;
	[tilespmem:s10+$0xFFFFFFC0] =	vst v30;
	v30 =	vld.idx.msk [tilespmem:v34+s11+$0x0], $0xffff  }
0x93: {  	s8 =	sadd.s32 s8, s20;
	[tilespmem:s12+$0x0] =	vst v27;
	v27 =	vor.u32 v10, v23;
	v32 =	vld.idx.msk [tilespmem:v36+s11+$0x0], $0xffff  }
0x94: {  	v34 =	vld.idx.msk [tilespmem:v42+s11+$0x0], $0xffff;
	[tilespmem:s28+$0x20] =	vst v28;
	v28 =	vor.u32 v14, v17  }
0x95: {  	v37 =	vor.u32 v15, v16;
	v16 =	vmov v20;
	v20 =	vmov v33;
	v36 =	vld.idx.msk [tilespmem:v38+s11+$0x0], $0xffff;
	[tilespmem:s0+$0x10] =	vst v40  }
0x96: {  	v33 =	vor.u32 v13, v16;
	v40 =	vor.u32 v10, v21;
	[tilespmem:s5+$0x40] =	vst v39;
	v38 =	vld.idx.msk [tilespmem:v25+s11+$0x0], $0xffff  }
0x97: {  	v25 =	vor.u32 v10, v35;
	v31 =	vld.idx.msk [tilespmem:v31+s11+$0x0], $0xffff;
	[tilespmem:s30+$0x70] =	vst v29;
	s30 =	smov.u32 s5;
	s5 =	smov.u32 s12  }
0x98: {  	v42 =	vor.u32 v14, v19;
	v29 =	vor.u32 v11, v22;
	v39 =	vld.idx.msk [tilespmem:v27+s11+$0x0], $0xffff;
	[tilespmem:s1+$0x50] =	vst v30  }
0x99: {  	v43 =	vld.idx.msk [tilespmem:v28+s11+$0x0], $0xffff;
	[tilespmem:s31+$0x50] =	vst v32  }
0x9a: {  	v32 =	vor.u32 v11, v23;
	[tilespmem:s26+$0x0] =	vst v34;
	v27 =	vld.idx.msk [tilespmem:v37+s11+$0x0], $0xffff  }
0x9b: {  	[tilespmem:s8+$0x0] =	vst v26;
	v44 =	vld.idx.msk [tilespmem:v33+s11+$0x0], $0xffff;
	v26 =	vor.u32 v15, v17;
	v17 =	vmov v22;
	v22 =	vmov v35  }
0x9c: {  	v45 =	vor.u32 v13, v18;
	s12 =	sadd.s32 $0x3, s22;
	v41 =	vld.idx.msk [tilespmem:v41+s11+$0x0], $0xffff;
	[tilespmem:s29+$0x20] =	vst v38  }
0x9d: {  	v30 =	vor.u32 v15, v19;
	v19 =	vmov v23;
	v28 =	vmov s12;
	[tilespmem:s5+$0x10] =	vst v31;
	v35 =	vld.idx.msk [tilespmem:v29+s11+$0x0], $0xffff  }
.Ltmp0:
0x9e: {  	v37 =	vor.u32 v10, v20;
	v23 =	vand.u32 $0x1F, v28;
	[tilespmem:s0+$0x20] =	vst v39;
	v33 =	vld.idx.msk [tilespmem:v42+s11+$0x0], $0xffff;
	(pc) =	sbr.rel @p0 .LBB2_3-.Ltmp0, $4  }
0x9f: {  	v28 =	vor.u32 v14, v16;
	v23 =	vbroadcast v23, $0x0;
	v34 =	vld.idx.msk [tilespmem:v32+s11+$0x0], $0xffff;
	[tilespmem:s1+$0x60] =	vst v43  }
0xa0: {  	[tilespmem:s10+$0xFFFFFFD0] =	vst v36;
	v32 =	vld.idx.msk [tilespmem:v26+s11+$0x0], $0xffff  }
0xa1: {  	v38 =	vor.u32 v3, v23;
	v26 =	vor.u32 v12, v23;
	[tilespmem:s26+$0x10] =	vst v44;
	v29 =	vld.idx.msk [tilespmem:v45+s11+$0x0], $0xffff  }
0xa2: {  	v36 =	vor.u32 v12, v17;
	v31 =	vld.idx.msk [tilespmem:v40+s11+$0x0], $0xffff;
	[tilespmem:s8+$0x10] =	vst v41  }
0xa3: {  	_ =	sdelay $0x3  }
0xa4: {  	v38 =	vld.idx.msk [tilespmem:v38+s11+$0x0], $0xffff  }
0xa5: {  	v39 =	vor.u32 v9, v23;
	_ =	sdelay $0x1  }
0xa6: {  	[tilespmem:s29+$0x30] =	vst v35;
	s3 =	sand.u32 $0x380, s21  }
0xa7: {  	[tilespmem:s31+$0x60] =	vst v33;
	s3 =	sadd.s32 s3, s20  }
0xa8: {  	[tilespmem:s3+$0x0] =	vst v38  }
0xa9: {  	[tilespmem:s28+$0x30] =	vst v27;
	v45 =	vld.idx.msk [tilespmem:v39+s11+$0x0], $0xffff  }
0xaa: {  	v46 =	vld.idx.msk [tilespmem:v37+s11+$0x0], $0xffff;
	v47 =	vor.u32 v10, v23;
	[tilespmem:s0+$0x30] =	vst v34  }
0xab: {  	v48 =	vor.u32 v11, v21;
	v30 =	vld.idx.msk [tilespmem:v30+s11+$0x0], $0xffff;
	[tilespmem:s1+$0x70] =	vst v32  }
0xac: {  	v27 =	vor.u32 v14, v18;
	v25 =	vld.idx.msk [tilespmem:v25+s11+$0x0], $0xffff;
	[tilespmem:s30+$0x50] =	vst v29  }
0xad: {  	v36 =	vld.idx.msk [tilespmem:v36+s11+$0x0], $0xffff;
	[tilespmem:s5+$0x20] =	vst v31;
	v31 =	vor.u32 v11, v20  }
0xae: {  	v24 =	vld.idx.msk [tilespmem:v24+s11+$0x0], $0xffff;
	v29 =	vor.u32 v11, v22;
	[tilespmem:s3+$0x10] =	vst v45  }
0xaf: {  	[tilespmem:s10+$0xFFFFFFE0] =	vst v46;
	v32 =	vld.idx.msk [tilespmem:v47+s11+$0x0], $0xffff  }
0xb0: {  	v49 =	vld.idx.msk [tilespmem:v48+s11+$0x0], $0xffff;
	[tilespmem:s31+$0x70] =	vst v30;
	v30 =	vor.u32 v11, v23  }
0xb1: {  	v50 =	vor.u32 v12, v21;
	v27 =	vld.idx.msk [tilespmem:v27+s11+$0x0], $0xffff;
	[tilespmem:s8+$0x20] =	vst v25  }
0xb2: {  	v51 =	vor.u32 v13, v17;
	[tilespmem:s29+$0x40] =	vst v36;
	v31 =	vld.idx.msk [tilespmem:v31+s11+$0x0], $0xffff  }
0xb3: {  	v18 =	vor.u32 v15, v18;
	[tilespmem:s0+$0x40] =	vst v24;
	v24 =	vld.idx.msk [tilespmem:v29+s11+$0x0], $0xffff  }
0xb4: {  	v25 =	vld.idx.msk [tilespmem:v28+s11+$0x0], $0xffff;
	v28 =	vor.u32 v12, v22;
	[tilespmem:s3+$0x20] =	vst v32  }
0xb5: {  	v29 =	vor.u32 v12, v20;
	[tilespmem:s5+$0x30] =	vst v49;
	v30 =	vld.idx.msk [tilespmem:v30+s11+$0x0], $0xffff  }
0xb6: {  	[tilespmem:s30+$0x60] =	vst v27;
	v52 =	vld.idx.msk [tilespmem:v50+s11+$0x0], $0xffff  }
0xb7: {  	v27 =	vor.u32 v13, v19;
	[tilespmem:s10+$0xFFFFFFF0] =	vst v31;
	v31 =	vld.idx.msk [tilespmem:v51+s11+$0x0], $0xffff  }
0xb8: {  	v53 =	vor.u32 v14, v17;
	v18 =	vld.idx.msk [tilespmem:v18+s11+$0x0], $0xffff;
	[tilespmem:s8+$0x30] =	vst v24  }
0xb9: {  	[tilespmem:s26+$0x20] =	vst v25;
	v24 =	vor.u32 v13, v21;
	v25 =	vld.idx.msk [tilespmem:v28+s11+$0x0], $0xffff  }
0xba: {  	v28 =	vld.idx.msk [tilespmem:v29+s11+$0x0], $0xffff;
	v29 =	vor.u32 v13, v22;
	[tilespmem:s3+$0x30] =	vst v30  }
0xbb: {  	[tilespmem:s5+$0x40] =	vst v52;
	v30 =	vor.u32 v13, v20;
	v26 =	vld.idx.msk [tilespmem:v26+s11+$0x0], $0xffff  }
0xbc: {  	v27 =	vld.idx.msk [tilespmem:v27+s11+$0x0], $0xffff;
	[tilespmem:s29+$0x50] =	vst v31;
	v31 =	vor.u32 v13, v23  }
0xbd: {  	[tilespmem:s30+$0x70] =	vst v18;
	v18 =	vor.u32 v14, v19;
	v54 =	vld.idx.msk [tilespmem:v53+s11+$0x0], $0xffff  }
0xbe: {  	v17 =	vor.u32 v15, v17;
	v24 =	vld.idx.msk [tilespmem:v24+s11+$0x0], $0xffff;
	[tilespmem:s8+$0x40] =	vst v25  }
0xbf: {  	v25 =	vor.u32 v14, v21;
	[tilespmem:s10+$0x0] =	vst v28;
	v28 =	vld.idx.msk [tilespmem:v29+s11+$0x0], $0xffff  }
0xc0: {  	v29 =	vld.idx.msk [tilespmem:v30+s11+$0x0], $0xffff;
	[tilespmem:s3+$0x40] =	vst v26;
	v26 =	vor.u32 v14, v22  }
0xc1: {  	[tilespmem:s0+$0x50] =	vst v27;
	v27 =	vor.u32 v14, v20;
	v30 =	vld.idx.msk [tilespmem:v31+s11+$0x0], $0xffff  }
0xc2: {  	v18 =	vld.idx.msk [tilespmem:v18+s11+$0x0], $0xffff;
	[tilespmem:s29+$0x60] =	vst v54;
	v31 =	vor.u32 v14, v23  }
0xc3: {  	v16 =	vor.u32 v15, v16;
	[tilespmem:s5+$0x50] =	vst v24;
	v17 =	vld.idx.msk [tilespmem:v17+s11+$0x0], $0xffff  }
0xc4: {  	v19 =	vor.u32 v15, v19;
	v24 =	vld.idx.msk [tilespmem:v25+s11+$0x0], $0xffff;
	[tilespmem:s8+$0x50] =	vst v28  }
0xc5: {  	v21 =	vor.u32 v15, v21;
	[tilespmem:s10+$0x10] =	vst v29;
	v25 =	vld.idx.msk [tilespmem:v26+s11+$0x0], $0xffff  }
0xc6: {  	v22 =	vor.u32 v15, v22;
	v26 =	vld.idx.msk [tilespmem:v27+s11+$0x0], $0xffff;
	[tilespmem:s3+$0x50] =	vst v30  }
0xc7: {  	[tilespmem:s0+$0x60] =	vst v18;
	v18 =	vor.u32 v15, v20;
	v20 =	vld.idx.msk [tilespmem:v31+s11+$0x0], $0xffff  }
0xc8: {  	v16 =	vld.idx.msk [tilespmem:v16+s11+$0x0], $0xffff;
	[tilespmem:s29+$0x70] =	vst v17;
	v17 =	vor.u32 v15, v23  }
0xc9: {  	v19 =	vld.idx.msk [tilespmem:v19+s11+$0x0], $0xffff;
	[tilespmem:s5+$0x60] =	vst v24  }
0xca: {  	v21 =	vld.idx.msk [tilespmem:v21+s11+$0x0], $0xffff;
	[tilespmem:s8+$0x60] =	vst v25  }
0xcb: {  	[tilespmem:s10+$0x20] =	vst v26;
	v22 =	vld.idx.msk [tilespmem:v22+s11+$0x0], $0xffff  }
0xcc: {  	v18 =	vld.idx.msk [tilespmem:v18+s11+$0x0], $0xffff;
	[tilespmem:s3+$0x60] =	vst v20  }
0xcd: {  	s22 =	smulhi.u32 $0x51EB851F, s7;
	[tilespmem:s26+$0x30] =	vst v16;
	v16 =	vld.idx.msk [tilespmem:v17+s11+$0x0], $0xffff  }
0xce: {  	[tilespmem:s0+$0x70] =	vst v19  }
0xcf: {  	s0 =	sshrl.u32 s22, $0x4;
	[tilespmem:s5+$0x70] =	vst v21  }
0xd0: {  	s0 =	smul.u32 $0x32, s0;
	[tilespmem:s8+$0x70] =	vst v22  }
0xd1: {  	p0 =	seq.s32 s23, $0x0;
	p1 =	seq.s32 s23, $0x63;
	[tilespmem:s10+$0x30] =	vst v18  }
0xd2: {  	s1 =	simm.s32 @!p0 $0x3;
	s26 =	sshll.u32 s25, $0x7;
	s0 =	ssub.s32 s7, s0;
	[tilespmem:s3+$0x70] =	vst v16  }
0xd3: {  	s25 =	sadd.s32 s6, s26;
	s0 =	sshll.u32 s0, $0x10;
	_ =	swait.ge @!p0 [sflag:s1], $0x1000  }
0xd4: {  	s0 =	sadd.s32 s2, s0;
	s3 =	sadd.s32 @!p1 $0x2, s7;
	[sflag:s1] =	ssyncset.done @!p0 $0x0  }
0xd5: {  	s0 =	sadd.s32 s25, s0;
	[sflag:s1] =	ssyncadd.s32 @!p0 $0xFFFFF000;
	s1 =	smulhi.u32 @!p1 $0x51EB851F, s3  }
0xd6: {  	[hbm4b:s0+s15] =	stream.strided.scatter [tilespmem:s17], [sflag:$0x3], $0x1000, s16, s15, $0x38;
	[tilespmem:$0xA500] =	vst v63  }
0xd7: {  	s0 =	sshrl.u32 @!p1 s1, $0x4  }
0xd8: {  	s1 =	smul.u32 @!p1 $0x32, s0  }
0xd9: {  	v16 =	vlaneseq.u32 @!p1;
	s0 =	smul.u32 @!p1 $0x1900, s0  }
0xda: {  	v16 =	vmul.u32 @!p1 $0x32, v16;
	s1 =	ssub.s32 @!p1 s3, s1  }
0xdb: {  	s0 =	sor.u32 @!p1 s1, s0  }
0xdc: {  	v17 =	vadd.s32 @!p1 s0, v16;
	s1 =	sadd.s32 @!p1 $0x320, s0  }
0xdd: {  	v18 =	vadd.s32 @!p1 s1, v16;
	s1 =	sadd.s32 @!p1 $0x640, s0  }
0xde: {  	v19 =	vadd.s32 @!p1 s1, v16;
	s1 =	sadd.s32 @!p1 $0x960, s0  }
0xdf: {  	v20 =	vadd.s32 @!p1 s1, v16;
	s1 =	sadd.s32 @!p1 $0xC80, s0  }
0xe0: {  	s3 =	simm.s32 @!p1 $0x0;
	v21 =	vadd.s32 @!p1 s1, v16;
	s1 =	sadd.s32 @!p1 $0xFA0, s0  }
0xe1: {  	v17 =	vld.idx.msk @!p1 [tilespmem:v17+s3+$0x0], $0xffff;
	v22 =	vadd.s32 @!p1 s1, v16;
	s1 =	sadd.s32 @!p1 $0x12C0, s0  }
0xe2: {  	s0 =	sadd.s32 @!p1 $0x15E0, s0;
	v18 =	vld.idx.msk @!p1 [tilespmem:v18+s3+$0x0], $0xffff;
	v23 =	vadd.s32 @!p1 s1, v16  }
0xe3: {  	v16 =	vadd.s32 @!p1 s0, v16;
	v19 =	vld.idx.msk @!p1 [tilespmem:v19+s3+$0x0], $0xffff  }
0xe4: {  	v20 =	vld.idx.msk @!p1 [tilespmem:v20+s3+$0x0], $0xffff  }
0xe5: {  	v21 =	vld.idx.msk @!p1 [tilespmem:v21+s3+$0x0], $0xffff  }
0xe6: {  	[tilespmem:$0x6400] =	vst @!p1 v17;
	v17 =	vld.idx.msk @!p1 [tilespmem:v22+s3+$0x0], $0xffff  }
0xe7: {  	[tilespmem:$0x6410] =	vst @!p1 v18;
	v18 =	vld.idx.msk @!p1 [tilespmem:v23+s3+$0x0], $0xffff  }
0xe8: {  	v16 =	vld.idx.msk @!p1 [tilespmem:v16+s3+$0x0], $0xffff;
	s3 =	simm.s32 $0x0;
	[tilespmem:$0x6420] =	vst @!p1 v19  }
0xe9: {  	s5 =	simm.s32 $0x1;
	v19 =	vmov s3;
	[tilespmem:$0x6430] =	vst @!p1 v20  }
0xea: {  	v19 =	vand.u32 $0x1C, v19;
	v20 =	vmov s5;
	[tilespmem:$0x6440] =	vst @!p1 v21  }
0xeb: {  	v23 =	vbroadcast v19, $0x0;
	[tilespmem:$0x6450] =	vst @!p1 v17;
	v17 =	vand.u32 $0x1D, v20  }
0xec: {  	[tilespmem:$0x6460] =	vst @!p1 v18;
	v25 =	vbroadcast v17, $0x0  }
0xed: {  	s0 =	simm.s32 @!p1 $0x80;
	s1 =	simm.s32 @!p1 $0x6400;
	s3 =	simm.s32 @!p1 $0x6500;
	[tilespmem:$0x6470] =	vst @!p1 v16;
	v16 =	vor.u32 v3, v23  }
0xee: {  	[tilespmem:s3], [sflag:$0x1] =	stream.indirect.gather @!p1 [hbm4b:s4+s0], $0x20, s1, s0, $0xb8;
	v17 =	vor.u32 v3, v25;
	[tilespmem:$0xA500] =	vst v63  }
0xef: {  	_ =	swait.ge [sflag:s18], $0x1000  }
0xf0: {  	[sflag:s18] =	ssyncset.done $0x0  }
0xf1: {  	[sflag:s18] =	ssyncadd.s32 $0xFFFFF000  }
0xf2: {  	v16 =	vld.idx.msk [tilespmem:v16+s13+$0x0], $0xffff  }
0xf3: {  	s7 =	simm.s32 $0x2;
	v18 =	vor.u32 v9, v23;
	v17 =	vld.idx.msk [tilespmem:v17+s13+$0x0], $0xffff  }
0xf4: {  	s8 =	simm.s32 $0x0;
	v19 =	vmov s7;
	v20 =	vor.u32 v9, v25  }
0xf5: {  	s10 =	simm.s32 $0x80;
	v19 =	vand.u32 $0x1E, v19;
	s0 =	sand.u32 $0xC00, s8  }
0xf6: {  	s28 =	simm.s32 $0x9540;
	v24 =	vbroadcast v19, $0x0;
	s1 =	sand.u32 $0x280, s10;
	s0 =	sadd.s32 $0x9500, s0  }
0xf7: {  	s12 =	simm.s32 $0x3;
	s7 =	sor.u32 s1, s0;
	[tilespmem:s28+$0xFFFFFFC0] =	vst v16  }
0xf8: {  	v16 =	vor.u32 v3, v24;
	[tilespmem:s7+$0x0] =	vst v17;
	v17 =	vld.idx.msk [tilespmem:v18+s13+$0x0], $0xffff;
	v18 =	vmov s12  }
0xf9: {  	v19 =	vld.idx.msk [tilespmem:v20+s13+$0x0], $0xffff;
	v20 =	vor.u32 v10, v23;
	v18 =	vand.u32 $0x1F, v18  }
0xfa: {  	v21 =	vor.u32 v10, v25;
	v26 =	vbroadcast v18, $0x0;
	_ =	sdelay $0x1  }
0xfb: {  	s20 =	simm.s32 $0x4;
	v22 =	vor.u32 v3, v26  }
0xfc: {  	v27 =	vld.idx.msk [tilespmem:v16+s13+$0x0], $0xffff;
	v16 =	vmov s20;
	[tilespmem:s28+$0xFFFFFFD0] =	vst v17  }
0xfd: {  	s21 =	simm.s32 $0x5;
	v28 =	vor.u32 v9, v24;
	v16 =	vand.u32 $0x1C, v16;
	[tilespmem:s7+$0x10] =	vst v19;
	v19 =	vld.idx.msk [tilespmem:v20+s13+$0x0], $0xffff  }
0xfe: {  	s26 =	simm.s32 $0x6;
	s22 =	simm.s32 $0x100;
	v17 =	vmov s21;
	v16 =	vbroadcast v16, $0x0;
	v20 =	vld.idx.msk [tilespmem:v21+s13+$0x0], $0xffff;
	v21 =	vor.u32 v11, v23  }
0xff: {  	v30 =	vmov s26;
	s3 =	sand.u32 $0x300, s22;
	v29 =	vor.u32 v11, v25;
	v17 =	vand.u32 $0x1D, v17  }
0x100: {  	s31 =	sadd.s32 s3, s0;
	v18 =	vbroadcast v17, $0x0;
	v17 =	vand.u32 $0x1E, v30;
	v30 =	vor.u32 v3, v16;
	v22 =	vld.idx.msk [tilespmem:v22+s13+$0x0], $0xffff  }
0x101: {  	[tilespmem:s31+$0x0] =	vst v27;
	v17 =	vbroadcast v17, $0x0;
	v27 =	vor.u32 v9, v26  }
0x102: {  	s5 =	simm.s32 $0x180;
	v28 =	vld.idx.msk [tilespmem:v28+s13+$0x0], $0xffff;
	v31 =	vor.u32 v3, v18;
	[tilespmem:s28+$0xFFFFFFE0] =	vst v19  }
0x103: {  	s1 =	sand.u32 $0x380, s5;
	v19 =	vor.u32 v3, v17;
	[tilespmem:s7+$0x20] =	vst v20;
	v20 =	vld.idx.msk [tilespmem:v21+s13+$0x0], $0xffff  }
0x104: {  	s1 =	sadd.s32 s1, s0;
	v21 =	vld.idx.msk [tilespmem:v29+s13+$0x0], $0xffff;
	v29 =	vor.u32 v12, v23  }
0x105: {  	v55 =	vor.u32 v12, v25;
	v30 =	vld.idx.msk [tilespmem:v30+s13+$0x0], $0xffff;
	[tilespmem:s1+$0x0] =	vst v22  }
0x106: {  	v22 =	vor.u32 v10, v24;
	v27 =	vld.idx.msk [tilespmem:v27+s13+$0x0], $0xffff  }
0x107: {  	v56 =	vor.u32 v10, v26;
	v31 =	vld.idx.msk [tilespmem:v31+s13+$0x0], $0xffff;
	[tilespmem:s31+$0x10] =	vst v28  }
0x108: {  	s8 =	simm.s32 $0x200;
	v57 =	vor.u32 v9, v16;
	v19 =	vld.idx.msk [tilespmem:v19+s13+$0x0], $0xffff;
	[tilespmem:s28+$0xFFFFFFF0] =	vst v20  }
0x109: {  	s26 =	simm.s32 $0x9740;
	s10 =	simm.s32 $0x280;
	s0 =	sand.u32 $0xC00, s8;
	v20 =	vor.u32 v9, v18;
	[tilespmem:s7+$0x30] =	vst v21;
	v21 =	vld.idx.msk [tilespmem:v29+s13+$0x0], $0xffff  }
0x10a: {  	s3 =	sand.u32 $0x280, s10;
	s0 =	sadd.s32 $0x9500, s0;
	s12 =	simm.s32 $0x300;
	v58 =	vor.u32 v9, v17;
	[tilespmem:s26+$0xFFFFFFC0] =	vst v30;
	v28 =	vld.idx.msk [tilespmem:v55+s13+$0x0], $0xffff  }
0x10b: {  	s30 =	sor.u32 s3, s0;
	s20 =	sand.u32 $0x300, s12;
	v29 =	vor.u32 v13, v23;
	v22 =	vld.idx.msk [tilespmem:v22+s13+$0x0], $0xffff;
	[tilespmem:s1+$0x10] =	vst v27  }
0x10c: {  	s29 =	sadd.s32 s20, s0;
	s21 =	simm.s32 $0x7;
	[tilespmem:s30+$0x0] =	vst v31;
	v27 =	vor.u32 v11, v24;
	v30 =	vld.idx.msk [tilespmem:v56+s13+$0x0], $0xffff  }
0x10d: {  	v59 =	vor.u32 v11, v26;
	v60 =	vmov s21;
	v31 =	vld.idx.msk [tilespmem:v57+s13+$0x0], $0xffff;
	[tilespmem:s29+$0x0] =	vst v19  }
0x10e: {  	v19 =	vand.u32 $0x1F, v60;
	v20 =	vld.idx.msk [tilespmem:v20+s13+$0x0], $0xffff;
	[tilespmem:s28+$0x0] =	vst v21;
	v21 =	vor.u32 v13, v25  }
0x10f: {  	v61 =	vor.u32 v10, v18;
	v32 =	vld.idx.msk [tilespmem:v58+s13+$0x0], $0xffff;
	v19 =	vbroadcast v19, $0x0  }
0x110: {  	v29 =	vld.idx.msk [tilespmem:v29+s13+$0x0], $0xffff;
	[tilespmem:s31+$0x20] =	vst v22;
	v22 =	vor.u32 v10, v16  }
0x111: {  	v62 =	vor.u32 v3, v19;
	v27 =	vld.idx.msk [tilespmem:v27+s13+$0x0], $0xffff;
	[tilespmem:s1+$0x20] =	vst v30  }
0x112: {  	[tilespmem:s7+$0x40] =	vst v28;
	v30 =	vor.u32 v14, v23;
	v28 =	vld.idx.msk [tilespmem:v59+s13+$0x0], $0xffff  }
0x113: {  	s22 =	simm.s32 $0x8;
	v42 =	vor.u32 v12, v24;
	[tilespmem:s30+$0x10] =	vst v20;
	v63 =	vld.idx.msk [tilespmem:v21+s13+$0x0], $0xffff  }
0x114: {  	v43 =	vor.u32 v12, v26;
	[tilespmem:s26+$0xFFFFFFD0] =	vst v31;
	v20 =	vmov s22;
	v31 =	vld.idx.msk [tilespmem:v61+s13+$0x0], $0xffff  }
0x115: {  	s5 =	simm.s32 $0x9;
	v44 =	vor.u32 v11, v18;
	v20 =	vand.u32 $0x1C, v20;
	[tilespmem:s28+$0x10] =	vst v29;
	v29 =	vld.idx.msk [tilespmem:v22+s13+$0x0], $0xffff  }
0x116: {  	v45 =	vor.u32 v14, v25;
	s8 =	simm.s32 $0xA;
	v21 =	vmov s5;
	v20 =	vbroadcast v20, $0x0;
	v33 =	vld.idx.msk [tilespmem:v62+s13+$0x0], $0xffff  }
0x117: {  	v21 =	vand.u32 $0x1D, v21;
	v22 =	vmov s8;
	[tilespmem:s31+$0x30] =	vst v27;
	v27 =	vor.u32 v11, v16;
	v30 =	vld.idx.msk [tilespmem:v30+s13+$0x0], $0xffff  }
0x118: {  	v47 =	vor.u32 v9, v19;
	v21 =	vbroadcast v21, $0x0;
	v22 =	vand.u32 $0x1E, v22;
	v36 =	vld.idx.msk [tilespmem:v42+s13+$0x0], $0xffff;
	[tilespmem:s1+$0x30] =	vst v28  }
0x119: {  	s10 =	simm.s32 $0x380;
	v22 =	vbroadcast v22, $0x0;
	v28 =	vor.u32 v3, v20;
	[tilespmem:s30+$0x20] =	vst v31;
	v31 =	vld.idx.msk [tilespmem:v43+s13+$0x0], $0xffff  }
0x11a: {  	s3 =	sand.u32 $0x380, s10;
	v46 =	vor.u32 v3, v21;
	[tilespmem:s7+$0x50] =	vst v63;
	v35 =	vld.idx.msk [tilespmem:v44+s13+$0x0], $0xffff  }
0x11b: {  	s0 =	sadd.s32 s3, s0;
	v48 =	vor.u32 v3, v22;
	[tilespmem:s26+$0xFFFFFFE0] =	vst v29;
	v29 =	vld.idx.msk [tilespmem:v45+s13+$0x0], $0xffff  }
0x11c: {  	v52 =	vor.u32 v13, v26;
	[tilespmem:s0+$0x0] =	vst v33;
	v27 =	vld.idx.msk [tilespmem:v27+s13+$0x0], $0xffff  }
0x11d: {  	v49 =	vor.u32 v12, v18;
	[tilespmem:s29+$0x10] =	vst v32;
	v37 =	vld.idx.msk [tilespmem:v47+s13+$0x0], $0xffff  }
0x11e: {  	v25 =	vor.u32 v15, v25;
	[tilespmem:s31+$0x40] =	vst v36;
	v28 =	vld.idx.msk [tilespmem:v28+s13+$0x0], $0xffff  }
0x11f: {  	v53 =	vor.u32 v12, v16;
	[tilespmem:s28+$0x20] =	vst v30;
	v50 =	vld.idx.msk [tilespmem:v46+s13+$0x0], $0xffff  }
0x120: {  	v55 =	vor.u32 v10, v19;
	[tilespmem:s1+$0x40] =	vst v31;
	v31 =	vld.idx.msk [tilespmem:v48+s13+$0x0], $0xffff  }
0x121: {  	v51 =	vor.u32 v13, v24;
	[tilespmem:s30+$0x30] =	vst v35;
	v56 =	vld.idx.msk [tilespmem:v52+s13+$0x0], $0xffff  }
0x122: {  	s12 =	simm.s32 $0x400;
	v54 =	vor.u32 v9, v20;
	[tilespmem:s7+$0x60] =	vst v29;
	v32 =	vld.idx.msk [tilespmem:v49+s13+$0x0], $0xffff  }
0x123: {  	s3 =	sand.u32 $0xC00, s12;
	s20 =	simm.s32 $0x480;
	v29 =	vor.u32 v10, v17;
	[tilespmem:s26+$0xFFFFFFF0] =	vst v27;
	v25 =	vld.idx.msk [tilespmem:v25+s13+$0x0], $0xffff  }
0x124: {  	s10 =	simm.s32 $0x9940;
	s5 =	sand.u32 $0x280, s20;
	s8 =	sadd.s32 $0x9500, s3;
	v27 =	vor.u32 v9, v21;
	[tilespmem:s0+$0x10] =	vst v37;
	v34 =	vld.idx.msk [tilespmem:v53+s13+$0x0], $0xffff  }
0x125: {  	v23 =	vor.u32 v15, v23;
	s5 =	sor.u32 s5, s8;
	v33 =	vld.idx.msk [tilespmem:v55+s13+$0x0], $0xffff;
	[tilespmem:s10+$0xFFFFFFC0] =	vst v28  }
0x126: {  	v58 =	vor.u32 v13, v16;
	v28 =	vld.idx.msk [tilespmem:v51+s13+$0x0], $0xffff;
	[tilespmem:s5+$0x0] =	vst v50  }
0x127: {  	v59 =	vor.u32 v9, v22;
	v57 =	vld.idx.msk [tilespmem:v54+s13+$0x0], $0xffff;
	[tilespmem:s1+$0x50] =	vst v56  }
0x128: {  	s21 =	simm.s32 $0x500;
	v30 =	vor.u32 v14, v24;
	v29 =	vld.idx.msk [tilespmem:v29+s13+$0x0], $0xffff;
	[tilespmem:s30+$0x40] =	vst v32  }
0x129: {  	v61 =	vor.u32 v11, v19;
	s3 =	sand.u32 $0x300, s21;
	v60 =	vld.idx.msk [tilespmem:v27+s13+$0x0], $0xffff;
	[tilespmem:s7+$0x70] =	vst v25  }
0x12a: {  	v40 =	vor.u32 v13, v18;
	s7 =	sadd.s32 s3, s8;
	v27 =	vld.idx.msk [tilespmem:v23+s13+$0x0], $0xffff;
	[tilespmem:s26+$0x0] =	vst v34  }
0x12b: {  	v25 =	vor.u32 v11, v17;
	[tilespmem:s7+$0x0] =	vst v31;
	v31 =	vld.idx.msk [tilespmem:v58+s13+$0x0], $0xffff  }
0x12c: {  	[tilespmem:s31+$0x50] =	vst v28;
	v28 =	vor.u32 v14, v26;
	v63 =	vld.idx.msk [tilespmem:v59+s13+$0x0], $0xffff  }
0x12d: {  	s22 =	simm.s32 $0xB;
	v41 =	vor.u32 v10, v21;
	[tilespmem:s0+$0x20] =	vst v33;
	v30 =	vld.idx.msk [tilespmem:v30+s13+$0x0], $0xffff  }
0x12e: {  	v62 =	vor.u32 v15, v24;
	v23 =	vmov s22;
	v34 =	vld.idx.msk [tilespmem:v61+s13+$0x0], $0xffff;
	[tilespmem:s10+$0xFFFFFFD0] =	vst v57  }
0x12f: {  	v23 =	vand.u32 $0x1F, v23;
	[tilespmem:s29+$0x20] =	vst v29;
	v29 =	vld.idx.msk [tilespmem:v40+s13+$0x0], $0xffff  }
0x130: {  	v24 =	vor.u32 v12, v19;
	v37 =	vor.u32 v10, v20;
	v23 =	vbroadcast v23, $0x0;
	[tilespmem:s5+$0x10] =	vst v60;
	v35 =	vld.idx.msk [tilespmem:v25+s13+$0x0], $0xffff  }
0x131: {  	v36 =	vor.u32 v12, v17;
	v33 =	vld.idx.msk [tilespmem:v28+s13+$0x0], $0xffff;
	v28 =	vor.u32 v14, v16;
	[tilespmem:s26+$0x10] =	vst v31  }
0x132: {  	v38 =	vor.u32 v3, v23;
	v31 =	vld.idx.msk [tilespmem:v41+s13+$0x0], $0xffff;
	[tilespmem:s31+$0x60] =	vst v30;
	v30 =	vor.u32 v15, v26  }
0x133: {  	s20 =	simm.s32 $0x580;
	s3 =	simm.s32 $0xC;
	v25 =	vor.u32 v10, v22;
	[tilespmem:s7+$0x10] =	vst v63;
	v26 =	vor.u32 v12, v23;
	v32 =	vld.idx.msk [tilespmem:v62+s13+$0x0], $0xffff  }
.LBB2_5:
0x134: {  	s12 =	sadd.s32 $0x1, s3  }
0x135: {  	v39 =	vmov s3;
	p1 =	slt.u32 s3, $0x1C;
	v37 =	vld.idx.msk [tilespmem:v37+s13+$0x0], $0xffff;
	v40 =	vor.u32 v14, v18;
	[tilespmem:s29+$0x30] =	vst v35;
	s21 =	smov.u32 s3;
	s3 =	sadd.s32 $0x4, s3  }
0x136: {  	v41 =	vor.u32 v11, v21;
	v35 =	vand.u32 $0x1C, v39;
	v39 =	vmov s12;
	s12 =	sadd.s32 $0x2, s21;
	v28 =	vld.idx.msk [tilespmem:v28+s13+$0x0], $0xffff;
	[tilespmem:s1+$0x60] =	vst v33  }
0x137: {  	v33 =	vbroadcast v35, $0x0;
	v35 =	vand.u32 $0x1D, v39;
	v39 =	vmov s12;
	[tilespmem:s0+$0x30] =	vst v34;
	v30 =	vld.idx.msk [tilespmem:v30+s13+$0x0], $0xffff  }
0x138: {  	v34 =	vbroadcast v35, $0x0;
	v35 =	vand.u32 $0x1E, v39;
	v39 =	vor.u32 v11, v20;
	v38 =	vld.idx.msk [tilespmem:v38+s13+$0x0], $0xffff;
	[tilespmem:s31+$0x70] =	vst v32;
	s31 =	smov.u32 s29;
	s29 =	smov.u32 s7  }
0x139: {  	v32 =	vor.u32 v3, v33;
	v35 =	vbroadcast v35, $0x0;
	v36 =	vld.idx.msk [tilespmem:v36+s13+$0x0], $0xffff;
	[tilespmem:s28+$0x30] =	vst v27;
	s28 =	smov.u32 s26;
	s26 =	smov.u32 s10  }
0x13a: {  	v27 =	vor.u32 v3, v34;
	[tilespmem:s5+$0x20] =	vst v31;
	v31 =	vld.idx.msk [tilespmem:v24+s13+$0x0], $0xffff;
	v24 =	vmov v26  }
0x13b: {  	v42 =	vor.u32 v9, v23;
	v26 =	vor.u32 v3, v35;
	v41 =	vld.idx.msk [tilespmem:v41+s13+$0x0], $0xffff;
	[tilespmem:s30+$0x50] =	vst v29  }
0x13c: {  	s7 =	sand.u32 $0x380, s20;
	[tilespmem:s10+$0xFFFFFFE0] =	vst v37;
	v29 =	vld.idx.msk [tilespmem:v40+s13+$0x0], $0xffff  }
0x13d: {  	v37 =	vld.idx.msk [tilespmem:v39+s13+$0x0], $0xffff;
	v39 =	vor.u32 v12, v21;
	[tilespmem:s1+$0x70] =	vst v30;
	s1 =	smov.u32 s0;
	s0 =	sadd.s32 s7, s8  }
0x13e: {  	v30 =	vld.idx.msk [tilespmem:v32+s13+$0x0], $0xffff;
	[tilespmem:s0+$0x0] =	vst v38;
	v32 =	vor.u32 v15, v18;
	v18 =	vmov v21;
	v21 =	vmov v34  }
0x13f: {  	v34 =	vor.u32 v13, v17;
	v27 =	vld.idx.msk [tilespmem:v27+s13+$0x0], $0xffff;
	[tilespmem:s31+$0x40] =	vst v36;
	v36 =	vor.u32 v13, v19  }
0x140: {  	s20 =	sadd.s32 $0x200, s20;
	v38 =	vor.u32 v9, v33;
	v40 =	vld.idx.msk [tilespmem:v42+s13+$0x0], $0xffff;
	[tilespmem:s1+$0x40] =	vst v31  }
0x141: {  	s7 =	sadd.s32 $0xFFFFFE80, s20;
	v31 =	vor.u32 v9, v21;
	v42 =	vor.u32 v12, v20;
	v26 =	vld.idx.msk [tilespmem:v26+s13+$0x0], $0xffff;
	[tilespmem:s5+$0x30] =	vst v41  }
0x142: {  	s10 =	sadd.s32 $0x200, s10;
	s8 =	sadd.s32 $0xFFFFFF00, s20;
	s7 =	sand.u32 $0xC00, s7;
	v41 =	vor.u32 v9, v35;
	v39 =	vld.idx.msk [tilespmem:v39+s13+$0x0], $0xffff;
	[tilespmem:s30+$0x60] =	vst v29  }
0x143: {  	s12 =	sand.u32 $0x280, s8;
	s8 =	sadd.s32 $0x9500, s7;
	s7 =	sadd.s32 $0xFFFFFF80, s20;
	[tilespmem:s26+$0xFFFFFFF0] =	vst v37;
	v29 =	vld.idx.msk [tilespmem:v32+s13+$0x0], $0xffff  }
0x144: {  	s12 =	sor.u32 s12, s8;
	s7 =	sand.u32 $0x300, s7;
	[tilespmem:s10+$0xFFFFFFC0] =	vst v30;
	v30 =	vld.idx.msk [tilespmem:v34+s13+$0x0], $0xffff  }
0x145: {  	s7 =	sadd.s32 s7, s8;
	[tilespmem:s12+$0x0] =	vst v27;
	v27 =	vor.u32 v10, v23;
	v32 =	vld.idx.msk [tilespmem:v36+s13+$0x0], $0xffff  }
0x146: {  	v34 =	vld.idx.msk [tilespmem:v42+s13+$0x0], $0xffff;
	[tilespmem:s28+$0x20] =	vst v28;
	v28 =	vor.u32 v14, v17  }
0x147: {  	v37 =	vor.u32 v15, v16;
	v16 =	vmov v20;
	v20 =	vmov v33;
	v36 =	vld.idx.msk [tilespmem:v38+s13+$0x0], $0xffff;
	[tilespmem:s0+$0x10] =	vst v40  }
0x148: {  	v33 =	vor.u32 v13, v16;
	v40 =	vor.u32 v10, v21;
	[tilespmem:s5+$0x40] =	vst v39;
	v38 =	vld.idx.msk [tilespmem:v25+s13+$0x0], $0xffff  }
0x149: {  	v25 =	vor.u32 v10, v35;
	v31 =	vld.idx.msk [tilespmem:v31+s13+$0x0], $0xffff;
	[tilespmem:s30+$0x70] =	vst v29;
	s30 =	smov.u32 s5;
	s5 =	smov.u32 s12  }
0x14a: {  	v42 =	vor.u32 v14, v19;
	v29 =	vor.u32 v11, v22;
	v39 =	vld.idx.msk [tilespmem:v27+s13+$0x0], $0xffff;
	[tilespmem:s31+$0x50] =	vst v30  }
0x14b: {  	v43 =	vld.idx.msk [tilespmem:v28+s13+$0x0], $0xffff;
	[tilespmem:s1+$0x50] =	vst v32  }
0x14c: {  	v32 =	vor.u32 v11, v23;
	[tilespmem:s26+$0x0] =	vst v34;
	v27 =	vld.idx.msk [tilespmem:v37+s13+$0x0], $0xffff  }
0x14d: {  	[tilespmem:s7+$0x0] =	vst v26;
	v44 =	vld.idx.msk [tilespmem:v33+s13+$0x0], $0xffff;
	v26 =	vor.u32 v15, v17;
	v17 =	vmov v22;
	v22 =	vmov v35  }
0x14e: {  	v45 =	vor.u32 v13, v18;
	s12 =	sadd.s32 $0x3, s21;
	v41 =	vld.idx.msk [tilespmem:v41+s13+$0x0], $0xffff;
	[tilespmem:s29+$0x20] =	vst v38  }
0x14f: {  	v30 =	vor.u32 v15, v19;
	v19 =	vmov v23;
	v28 =	vmov s12;
	[tilespmem:s5+$0x10] =	vst v31;
	v35 =	vld.idx.msk [tilespmem:v29+s13+$0x0], $0xffff  }
.Ltmp1:
0x150: {  	v37 =	vor.u32 v10, v20;
	v23 =	vand.u32 $0x1F, v28;
	[tilespmem:s0+$0x20] =	vst v39;
	v33 =	vld.idx.msk [tilespmem:v42+s13+$0x0], $0xffff;
	(pc) =	sbr.rel @p1 .LBB2_5-.Ltmp1, $4  }
0x151: {  	v28 =	vor.u32 v14, v16;
	v23 =	vbroadcast v23, $0x0;
	v34 =	vld.idx.msk [tilespmem:v32+s13+$0x0], $0xffff;
	[tilespmem:s31+$0x60] =	vst v43  }
0x152: {  	[tilespmem:s10+$0xFFFFFFD0] =	vst v36;
	v32 =	vld.idx.msk [tilespmem:v26+s13+$0x0], $0xffff  }
0x153: {  	v38 =	vor.u32 v3, v23;
	v26 =	vor.u32 v12, v23;
	[tilespmem:s26+$0x10] =	vst v44;
	v29 =	vld.idx.msk [tilespmem:v45+s13+$0x0], $0xffff  }
0x154: {  	v36 =	vor.u32 v12, v17;
	v31 =	vld.idx.msk [tilespmem:v40+s13+$0x0], $0xffff;
	[tilespmem:s7+$0x10] =	vst v41  }
0x155: {  	_ =	sdelay $0x3  }
0x156: {  	v38 =	vld.idx.msk [tilespmem:v38+s13+$0x0], $0xffff  }
0x157: {  	v39 =	vor.u32 v9, v23;
	_ =	sdelay $0x1  }
0x158: {  	[tilespmem:s29+$0x30] =	vst v35;
	s3 =	sand.u32 $0x380, s20  }
0x159: {  	[tilespmem:s1+$0x60] =	vst v33;
	s3 =	sadd.s32 s3, s8  }
0x15a: {  	[tilespmem:s3+$0x0] =	vst v38  }
0x15b: {  	[tilespmem:s28+$0x30] =	vst v27;
	v50 =	vld.idx.msk [tilespmem:v39+s13+$0x0], $0xffff  }
0x15c: {  	v51 =	vld.idx.msk [tilespmem:v37+s13+$0x0], $0xffff;
	v52 =	vor.u32 v10, v23;
	[tilespmem:s0+$0x30] =	vst v34  }
0x15d: {  	v25 =	vld.idx.msk [tilespmem:v25+s13+$0x0], $0xffff;
	[tilespmem:s31+$0x70] =	vst v32  }
0x15e: {  	v53 =	vor.u32 v11, v21;
	v63 =	vld.idx.msk [tilespmem:v28+s13+$0x0], $0xffff;
	[tilespmem:s30+$0x50] =	vst v29  }
0x15f: {  	v54 =	vor.u32 v14, v18;
	v30 =	vld.idx.msk [tilespmem:v30+s13+$0x0], $0xffff;
	[tilespmem:s5+$0x20] =	vst v31  }
0x160: {  	v56 =	vor.u32 v11, v22;
	v36 =	vld.idx.msk [tilespmem:v36+s13+$0x0], $0xffff;
	[tilespmem:s3+$0x10] =	vst v50  }
0x161: {  	v55 =	vor.u32 v11, v20;
	[tilespmem:s10+$0xFFFFFFE0] =	vst v51;
	v32 =	vld.idx.msk [tilespmem:v52+s13+$0x0], $0xffff  }
0x162: {  	v58 =	vor.u32 v11, v23;
	v24 =	vld.idx.msk [tilespmem:v24+s13+$0x0], $0xffff;
	[tilespmem:s7+$0x20] =	vst v25  }
0x163: {  	v60 =	vor.u32 v13, v17;
	v57 =	vld.idx.msk [tilespmem:v53+s13+$0x0], $0xffff;
	[tilespmem:s26+$0x20] =	vst v63  }
0x164: {  	v59 =	vor.u32 v12, v21;
	v27 =	vld.idx.msk [tilespmem:v54+s13+$0x0], $0xffff;
	[tilespmem:s1+$0x70] =	vst v30  }
0x165: {  	v61 =	vor.u32 v15, v18;
	[tilespmem:s29+$0x40] =	vst v36;
	v62 =	vld.idx.msk [tilespmem:v56+s13+$0x0], $0xffff  }
0x166: {  	v31 =	vld.idx.msk [tilespmem:v55+s13+$0x0], $0xffff;
	v36 =	vor.u32 v12, v22;
	[tilespmem:s3+$0x20] =	vst v32  }
0x167: {  	v37 =	vor.u32 v12, v20;
	[tilespmem:s0+$0x40] =	vst v24;
	v30 =	vld.idx.msk [tilespmem:v58+s13+$0x0], $0xffff  }
0x168: {  	v40 =	vld.idx.msk [tilespmem:v60+s13+$0x0], $0xffff;
	[tilespmem:s5+$0x30] =	vst v57  }
0x169: {  	v39 =	vor.u32 v13, v19;
	[tilespmem:s30+$0x60] =	vst v27;
	v38 =	vld.idx.msk [tilespmem:v59+s13+$0x0], $0xffff  }
0x16a: {  	v41 =	vor.u32 v14, v17;
	v18 =	vld.idx.msk [tilespmem:v61+s13+$0x0], $0xffff;
	[tilespmem:s7+$0x30] =	vst v62  }
0x16b: {  	v42 =	vor.u32 v13, v21;
	[tilespmem:s10+$0xFFFFFFF0] =	vst v31;
	v43 =	vld.idx.msk [tilespmem:v36+s13+$0x0], $0xffff  }
0x16c: {  	v45 =	vor.u32 v13, v22;
	v44 =	vld.idx.msk [tilespmem:v37+s13+$0x0], $0xffff;
	[tilespmem:s3+$0x30] =	vst v30  }
0x16d: {  	v46 =	vor.u32 v13, v20;
	[tilespmem:s29+$0x50] =	vst v40;
	v26 =	vld.idx.msk [tilespmem:v26+s13+$0x0], $0xffff  }
0x16e: {  	v47 =	vor.u32 v13, v23;
	v27 =	vld.idx.msk [tilespmem:v39+s13+$0x0], $0xffff;
	[tilespmem:s5+$0x40] =	vst v38  }
0x16f: {  	v48 =	vor.u32 v14, v19;
	v49 =	vld.idx.msk [tilespmem:v41+s13+$0x0], $0xffff;
	[tilespmem:s30+$0x70] =	vst v18  }
0x170: {  	v17 =	vor.u32 v15, v17;
	v24 =	vld.idx.msk [tilespmem:v42+s13+$0x0], $0xffff;
	[tilespmem:s7+$0x40] =	vst v43  }
0x171: {  	v50 =	vor.u32 v14, v21;
	[tilespmem:s10+$0x0] =	vst v44;
	v51 =	vld.idx.msk [tilespmem:v45+s13+$0x0], $0xffff  }
0x172: {  	v53 =	vor.u32 v14, v22;
	v52 =	vld.idx.msk [tilespmem:v46+s13+$0x0], $0xffff;
	[tilespmem:s3+$0x40] =	vst v26  }
0x173: {  	v54 =	vor.u32 v14, v20;
	[tilespmem:s0+$0x50] =	vst v27;
	v55 =	vld.idx.msk [tilespmem:v47+s13+$0x0], $0xffff  }
0x174: {  	v56 =	vor.u32 v14, v23;
	v18 =	vld.idx.msk [tilespmem:v48+s13+$0x0], $0xffff;
	[tilespmem:s29+$0x60] =	vst v49  }
0x175: {  	v16 =	vor.u32 v15, v16;
	v17 =	vld.idx.msk [tilespmem:v17+s13+$0x0], $0xffff;
	[tilespmem:s5+$0x50] =	vst v24  }
0x176: {  	v57 =	vor.u32 v15, v19;
	v24 =	vld.idx.msk [tilespmem:v50+s13+$0x0], $0xffff;
	[tilespmem:s7+$0x50] =	vst v51  }
0x177: {  	v58 =	vor.u32 v15, v21;
	[tilespmem:s10+$0x10] =	vst v52;
	v59 =	vld.idx.msk [tilespmem:v53+s13+$0x0], $0xffff  }
0x178: {  	v61 =	vor.u32 v15, v22;
	v60 =	vld.idx.msk [tilespmem:v54+s13+$0x0], $0xffff;
	[tilespmem:s3+$0x50] =	vst v55  }
0x179: {  	v62 =	vor.u32 v15, v20;
	[tilespmem:s0+$0x60] =	vst v18;
	v63 =	vld.idx.msk [tilespmem:v56+s13+$0x0], $0xffff  }
0x17a: {  	v16 =	vld.idx.msk [tilespmem:v16+s13+$0x0], $0xffff;
	[tilespmem:s29+$0x70] =	vst v17;
	v17 =	vor.u32 v15, v23  }
0x17b: {  	v19 =	vld.idx.msk [tilespmem:v57+s13+$0x0], $0xffff;
	[tilespmem:s5+$0x60] =	vst v24  }
0x17c: {  	v21 =	vld.idx.msk [tilespmem:v58+s13+$0x0], $0xffff;
	[tilespmem:s7+$0x60] =	vst v59  }
0x17d: {  	[tilespmem:s10+$0x20] =	vst v60;
	v22 =	vld.idx.msk [tilespmem:v61+s13+$0x0], $0xffff  }
0x17e: {  	v18 =	vld.idx.msk [tilespmem:v62+s13+$0x0], $0xffff;
	[tilespmem:s3+$0x60] =	vst v63  }
0x17f: {  	[tilespmem:s26+$0x30] =	vst v16;
	v16 =	vld.idx.msk [tilespmem:v17+s13+$0x0], $0xffff  }
0x180: {  	[tilespmem:s0+$0x70] =	vst v19  }
0x181: {  	[tilespmem:s5+$0x70] =	vst v21  }
0x182: {  	[tilespmem:s7+$0x70] =	vst v22  }
0x183: {  	[tilespmem:s10+$0x30] =	vst v18  }
0x184: {  	s0 =	simm.s32 @!p0 $0x4;
	[tilespmem:s3+$0x70] =	vst v16  }
0x185: {  	_ =	swait.ge @!p0 [sflag:s0], $0x1000  }
0x186: {  	s23 =	sadd.s32 $0x1, s23;
	[sflag:s0] =	ssyncset.done @!p0 $0x0  }
0x187: {  	[sflag:s0] =	ssyncadd.s32 @!p0 $0xFFFFF000;
	p0 =	sne.s32 s23, $0x64  }
.Ltmp2:
0x188: {  	_ = 	snop;
	(pc) =	sbr.rel @p0 .LBB2_2-.Ltmp2, $4  }
0x189: {  	_ = 	snop  }
0x18a: {  	s30 =	sadd.s32 s2, s25;
	s29 =	sshll.u32 s24, $0x10  }
0x18b: {  	s31 =	sadd.s32 s29, s30  }
0x18c: {  	[hbm4b:s31+s15] =	stream.strided.scatter [tilespmem:s19], [sflag:$0x4], $0x1000, s16, s15, $0x38;
	[tilespmem:$0xA500] =	vst v63  }
0x18d: {  	s0 =	simm.s32 $0x3  }
0x18e: {  	_ =	swait.ge [sflag:s0], $0x1000  }
0x18f: {  	[sflag:s0] =	ssyncset.done $0x0  }
0x190: {  	s1 =	simm.s32 $0x4;
	[sflag:s0] =	ssyncadd.s32 $0xFFFFF000  }
0x191: {  	_ =	swait.ge [sflag:s1], $0x1000  }
0x192: {  	s3 =	rddreg [dreg:$0x5]  }
0x193: {  	s31 =	rddreg [dreg:$0x4];
	s3 =	sadd.s32 $0x1, s3  }
0x194: {  	p0 =	sne.s32 s3, s31  }
.Ltmp3:
0x195: {  	_ = 	snop;
	(pc) =	sbr.rel @p0 .LBB2_1-.Ltmp3, $3  }
0x196: {  	_ =	sdelay $0x1  }
0x197: {  	[sflag:s1] =	ssyncset.done $0x0  }
0x198: {  	[sflag:s1] =	ssyncadd.s32 $0xFFFFF000  }
0x199: {  	_ =	sfence.sel $0x180000  }
0x19a: {  	[bflag:$0x0] =	sbarrier.arrive $0xFFFF  }
0x19b: {  	_ =	strace $0x90000047  }
0x19c: {  	s0 =	stileid.u32;
	[bflag:$0x2] =	sbarrier.arrive $0xFFFF  }
0x19d: {  	p0 =	sne.s32 s0, $0x0;
	s0 =	rddreg [dreg:$0x2]  }
0x19e: {  	s0 =	sadd.s32 @!p0 $0x100000, s0  }
0x19f: {  	[sflag:s0] =	ssyncadd.tile.s32 @!p0 $0x1;
	_ =	shalt  }
.Lfunc_end2:
_tile_overlayer_lowered:
.L_overlay_start_2:
0x1a0: {  	(tag) =	ssettag $0x2  }
0x1a1: {  	s0 =	rddreg [dreg:$0x0];
	s2 =	stileid.u32  }
0x1a2: {  	s1 =	rddreg [dreg:$0x1];
	p0 =	sne.s32 s2, $0x0  }
0x1a3: {  	s3 =	rddreg [dreg:$0x2];
	[bflag:$0x3] =	sbarrier.arrive $0xFFFF;
	s2 =	simm.s32 @!p0 $0x1C05  }
0x1a4: {  	[timem:s3], [sflag:s2] =	dma.local @!p0 [hbm:s0], s1  }
0x1a5: {  	s0 =	simm.s32 @!p0 $0x5  }
0x1a6: {  	_ =	swait.ge @!p0 [sflag:s0], s1  }
0x1a7: {  	s1 =	ssub.s32 @!p0 $0x0, s1;
	[sflag:s0] =	ssyncset.done @!p0 $0x0  }
0x1a8: {  	[sflag:s0] =	ssyncadd.s32 @!p0 s1  }
0x1a9: {  	[bflag:$0x3] =	sbarrier.arrive $0xFFFF  }
0x1aa: {  	_ =	shalt  }

</sc_bundles>
